<compile_context>
chip_gen: v7x
topology: tpu7x:2x2x1
jax: 0.10.2.dev20260603
libtpu: 0.0.44.dev20260713+nightly
codegen_flags: <defaults>
</compile_context>

<pallas_src>
import functools

import jax
import jax.numpy as jnp
from jax import lax
from jax.experimental import pallas as pl
from jax.experimental.pallas import tpu as pltpu
from jax.experimental.pallas import tpu_sc as plsc

N = 10000
E = 320000
D = 128
DE = 16
H = 128
OUTC = 8

NC = 2
NS = 16
NW = NC * NS
CHUNK = 80
CPW = E // (NW * CHUNK)
GRP = 5
CPG = CPW // GRP
N_PAD = 10240
RPT = N_PAD // NS


def _sc_segsum_x(src3d, dst3d, x, zx):
    mesh = plsc.VectorSubcoreMesh(core_axis_name="c", subcore_axis_name="s")

    @functools.partial(
        pl.kernel,
        mesh=mesh,
        out_type=jax.ShapeDtypeStruct((NC, N_PAD, D), jnp.float32),
        scratch_types=[
            pltpu.VMEM((CPG, CHUNK), jnp.int32),
            pltpu.VMEM((CPG, CHUNK), jnp.int32),
            pltpu.VMEM((CHUNK, D), jnp.float32),
            pltpu.VMEM_SHARED((N_PAD, D), jnp.float32),
            pltpu.SemaphoreType.DMA,
        ],
    )
    def k(src_hbm, dst_hbm, x_hbm, zx_hbm, outx, srcb, dstb, rowsb, accx, sem):
        c = lax.axis_index("c")
        s = lax.axis_index("s")
        wid = s * NC + c
        pltpu.sync_copy(zx_hbm, accx.at[pl.ds(s * RPT, RPT)])
        plsc.subcore_barrier()

        for grp in range(GRP):
            pltpu.sync_copy(src_hbm.at[wid, grp], srcb)
            pltpu.sync_copy(dst_hbm.at[wid, grp], dstb)

            def body(j, carry):
                pltpu.async_copy(x_hbm.at[srcb.at[j]], rowsb, sem).wait()
                pltpu.sync_copy(rowsb, accx.at[dstb.at[j]], add=True)
                return carry

            lax.fori_loop(0, CPG, body, 0)
        plsc.subcore_barrier()
        pltpu.sync_copy(accx.at[pl.ds(s * RPT, RPT)], outx.at[c, pl.ds(s * RPT, RPT)])

    return k(src3d, dst3d, x, zx)


def _sc_segsum_ea(dst3d, edge_attr, ze):
    mesh = plsc.VectorSubcoreMesh(core_axis_name="c", subcore_axis_name="s")

    @functools.partial(
        pl.kernel,
        mesh=mesh,
        out_type=jax.ShapeDtypeStruct((NC, N_PAD, DE), jnp.float32),
        scratch_types=[
            pltpu.VMEM((CPG, CHUNK), jnp.int32),
            pltpu.VMEM((CHUNK, DE), jnp.float32),
            pltpu.VMEM_SHARED((N_PAD, DE), jnp.float32),
            pltpu.SemaphoreType.DMA,
        ],
    )
    def k(dst_hbm, ea_hbm, ze_hbm, oute, dstb, eab, acce, sem):
        c = lax.axis_index("c")
        s = lax.axis_index("s")
        wid = s * NC + c
        pltpu.sync_copy(ze_hbm, acce.at[pl.ds(s * RPT, RPT)])
        plsc.subcore_barrier()

        for grp in range(GRP):
            pltpu.sync_copy(dst_hbm.at[wid, grp], dstb)

            def body(j, carry):
                g = (wid * GRP + grp) * CPG + j
                pltpu.sync_copy(ea_hbm.at[pl.ds(g * CHUNK, CHUNK)], eab)
                pltpu.sync_copy(eab, acce.at[dstb.at[j]], add=True)
                return carry

            lax.fori_loop(0, CPG, body, 0)
        plsc.subcore_barrier()
        pltpu.sync_copy(acce.at[pl.ds(s * RPT, RPT)], oute.at[c, pl.ds(s * RPT, RPT)])

    return k(dst3d, edge_attr, ze)


def _tc_head(x, px, pe, W_self, W_nbr, W_edge, b_gnn, W1, b1, W2, b2, W3, b3):
    BR = 1000

    def body(x_r, px_r, pe_r, ws_r, wn_r, we_r, bg_r, w1_r, b1_r, w2_r,
             b2_r, w3_r, b3_r, o_r):
        agg = px_r[0] + px_r[1]
        ae = pe_r[0] + pe_r[1]
        h = jnp.dot(x_r[...], ws_r[...], preferred_element_type=jnp.float32)
        h = h + jnp.dot(agg, wn_r[...], preferred_element_type=jnp.float32)
        h = h + jnp.dot(ae, we_r[...], preferred_element_type=jnp.float32)
        h = jnp.maximum(h + bg_r[...], 0.0)
        h = jnp.maximum(
            jnp.dot(h, w1_r[...], preferred_element_type=jnp.float32) + b1_r[...], 0.0)
        h = jnp.maximum(
            jnp.dot(h, w2_r[...], preferred_element_type=jnp.float32) + b2_r[...], 0.0)
        o_r[...] = jnp.dot(h, w3_r[...], preferred_element_type=jnp.float32) + b3_r[...]

    full = lambda shape: pl.BlockSpec(shape, lambda i: tuple(0 for _ in shape))
    return pl.pallas_call(
        body,
        grid=(N // BR,),
        in_specs=[
            pl.BlockSpec((BR, D), lambda i: (i, 0)),
            pl.BlockSpec((NC, BR, D), lambda i: (0, i, 0)),
            pl.BlockSpec((NC, BR, DE), lambda i: (0, i, 0)),
            full((D, H)),
            full((D, H)),
            full((DE, H)),
            full((1, H)),
            full((H, 32)),
            full((1, 32)),
            full((32, 16)),
            full((1, 16)),
            full((16, OUTC)),
            full((1, OUTC)),
        ],
        out_specs=pl.BlockSpec((BR, OUTC), lambda i: (i, 0)),
        out_shape=jax.ShapeDtypeStruct((N, OUTC), jnp.float32),
    )(x, px, pe, W_self, W_nbr, W_edge, b_gnn, W1, b1, W2, b2, W3, b3)


def kernel(x, edge_index, edge_attr, W_self, W_nbr, W_edge, b_gnn, W1, b1,
           W2, b2, W3, b3):
    src3d = edge_index[0].reshape(NW, GRP, CPG, CHUNK)
    dst3d = edge_index[1].reshape(NW, GRP, CPG, CHUNK)
    zx = jnp.zeros((RPT, D), jnp.float32)
    ze = jnp.zeros((RPT, DE), jnp.float32)
    px = _sc_segsum_x(src3d, dst3d, x, zx)
    pe = _sc_segsum_ea(dst3d, edge_attr, ze)
    return _tc_head(
        x, px, pe, W_self, W_nbr, W_edge,
        b_gnn.reshape(1, H), W1, b1.reshape(1, 32), W2, b2.reshape(1, 16),
        W3, b3.reshape(1, OUTC))

# --- scband reference (transcript-rebuilt; emitter-appended) ---
"""Pipeline reference for scband-my-model-18356690223218 (READ-ONLY COPY).

The authoritative reference and input builder live on the scoring server;
editing this copy changes nothing except your own understanding.
"""

import jax, jax.numpy as jnp
import numpy as np

N = 10000
E = 320000
D = 128
DE = 16
H = 128
OUT = 8


def setup_inputs(seed: int = 0) -> dict:
    key = jax.random.key(seed)
    ks = jax.random.split(key, 16)
    x = jax.random.normal(ks[0], (N, D), dtype=jnp.float32)
    edge_index = jax.random.randint(ks[1], (2, E), 0, N, dtype=jnp.int32)
    edge_attr = jax.random.normal(ks[2], (E, DE), dtype=jnp.float32)
    # GNN parameters (GraphConv-style hetero conv on node type 'area')
    W_self = jax.random.normal(ks[3], (D, H), dtype=jnp.float32) / np.sqrt(D)
    W_nbr = jax.random.normal(ks[4], (D, H), dtype=jnp.float32) / np.sqrt(D)
    W_edge = jax.random.normal(ks[5], (DE, H), dtype=jnp.float32) / np.sqrt(DE)
    b_gnn = jnp.zeros((H,), dtype=jnp.float32)
    # MLP head: hidden_channels -> 32 -> 16 -> out_channels
    W1 = jax.random.normal(ks[6], (H, 32), dtype=jnp.float32) / np.sqrt(H)
    b1 = jnp.zeros((32,), dtype=jnp.float32)
    W2 = jax.random.normal(ks[7], (32, 16), dtype=jnp.float32) / np.sqrt(32)
    b2 = jnp.zeros((16,), dtype=jnp.float32)
    W3 = jax.random.normal(ks[8], (16, OUT), dtype=jnp.float32) / np.sqrt(16)
    b3 = jnp.zeros((OUT,), dtype=jnp.float32)
    return {"x": x, "edge_index": edge_index, "edge_attr": edge_attr,
            "W_self": W_self, "W_nbr": W_nbr, "W_edge": W_edge, "b_gnn": b_gnn,
            "W1": W1, "b1": b1, "W2": W2, "b2": b2, "W3": W3, "b3": b3}


def reference(x, edge_index, edge_attr, W_self, W_nbr, W_edge, b_gnn, W1, b1, W2, b2, W3, b3):
    src = edge_index[0]
    dst = edge_index[1]
    # hetero GNN on ('area','to','area'): gather source features + edge features
    msg = jnp.take(x, src, axis=0) @ W_nbr + edge_attr @ W_edge
    agg = jax.ops.segment_sum(msg, dst, num_segments=N)
    h = jax.nn.relu(x @ W_self + agg + b_gnn)
    # dropout(p=0.5) in eval mode = identity
    h = jax.nn.relu(h @ W1 + b1)
    h = jax.nn.relu(h @ W2 + b2)
    # second dropout in eval mode = identity
    out = h @ W3 + b3
    return out  # corresponds to x_dict['area']

if __name__ == "__main__":
    import jax
    _d = setup_inputs()
    print(jax.jit(kernel)(*tuple(_d.values())))

</pallas_src>

<mosaic_0001>
#map = affine_map<(d0, d1) -> (0, 0, 0, 0)>
#map1 = affine_map<(d0, d1) -> (0, 0)>
#map2 = affine_map<(d0, d1) -> (0, 0, 0)>
module attributes {stable_mosaic.version = 14 : i64} {
  func.func @k(%arg0: i32, %arg1: i32, %arg2: memref<32x5x25x80xi32, #tpu.memory_space<hbm>>, %arg3: memref<320000x16xf32, #tpu.memory_space<hbm>>, %arg4: memref<640x16xf32, #tpu.memory_space<hbm>>, %arg5: memref<2x10240x16xf32, #tpu.memory_space<hbm>>, %arg6: memref<25x80xi32, #tpu.memory_space<vmem>>, %arg7: memref<80x16xf32, #tpu.memory_space<vmem>>, %arg8: memref<10240x16xf32, #tpu.memory_space<vmem_shared>>, %arg9: memref<!tpu.dma_semaphore, #tpu.memory_space<semaphore_mem>>) attributes {dimension_semantics = [#tpu.dimension_semantics<core_parallel>, #tpu.dimension_semantics<subcore_parallel>], iteration_bounds = array<i64: 2, 16>, scalar_prefetch = 0 : i64, scratch_operands = 4 : i64, tpu.core_type = #tpu.core_type<sc_vector_subcore>, window_params = [{transform_indices = #map}, {transform_indices = #map1}, {transform_indices = #map1}, {transform_indices = #map2}]} {
    %mul3A = arith.constant 2 : i32
    %mul3A_0 = arith.muli %arg1, %mul3A : i32
    %add3A = arith.addi %mul3A_0, %arg0 : i32
    %mul3A_1 = arith.constant 640 : i32
    %mul3A_2 = arith.muli %arg1, %mul3A_1 : i32
    "tpu.region"() ({
      %run_scoped3A_41 = tpu.sem_alloc : memref<!tpu.dma_semaphore, #tpu.memory_space<semaphore_mem>>
      %dma_start3A = arith.constant 0 : i32
      %dma_start3A_42 = tpu.memref_slice %arg8[%mul3A_2, %dma_start3A] : memref<10240x16xf32, #tpu.memory_space<vmem_shared>> -> memref<640x16xf32, #tpu.memory_space<vmem_shared>>
      tpu.enqueue_dma source(%arg4 : memref<640x16xf32, #tpu.memory_space<hbm>>) target(%dma_start3A_42 : memref<640x16xf32, #tpu.memory_space<vmem_shared>>) target_semaphore(%run_scoped3A_41 : memref<!tpu.dma_semaphore, #tpu.memory_space<semaphore_mem>>)
      %dma_wait3A = arith.constant 0 : i32
      %dma_wait3A_43 = tpu.memref_slice %arg8[%mul3A_2, %dma_wait3A] : memref<10240x16xf32, #tpu.memory_space<vmem_shared>> -> memref<640x16xf32, #tpu.memory_space<vmem_shared>>
      tpu.wait_dma2 semaphore(%run_scoped3A_41 : memref<!tpu.dma_semaphore, #tpu.memory_space<semaphore_mem>>) src(%arg4 : memref<640x16xf32, #tpu.memory_space<hbm>>) dst(%dma_wait3A_43 : memref<640x16xf32, #tpu.memory_space<vmem_shared>>)
      tpu.yield
    }) : () -> ()
    %barrier3A = arith.constant 0 : index
    tpu.barrier barrier_id(%barrier3A)
    %run_scoped3A = arith.constant 0 : i32
    "tpu.region"() ({
      %run_scoped3A_41 = tpu.sem_alloc : memref<!tpu.dma_semaphore, #tpu.memory_space<semaphore_mem>>
      %dma_start3A = arith.constant 0 : i32
      %dma_start3A_42 = arith.constant 0 : i32
      %dma_start3A_43 = tpu.memref_slice %arg2[%add3A, %run_scoped3A, %dma_start3A, %dma_start3A_42] : memref<32x5x25x80xi32, #tpu.memory_space<hbm>> -> memref<1x1x25x80xi32, #tpu.memory_space<hbm>>
      %dma_start3A_44 = tpu.memref_squeeze %dma_start3A_43 : memref<1x1x25x80xi32, #tpu.memory_space<hbm>> -> memref<25x80xi32, #tpu.memory_space<hbm>>
      %dma_start3A_45 = arith.constant 0 : i32
      %dma_start3A_46 = arith.constant 0 : i32
      %dma_start3A_47 = tpu.memref_slice %arg2[%add3A, %run_scoped3A, %dma_start3A_45, %dma_start3A_46] : memref<32x5x25x80xi32, #tpu.memory_space<hbm>> -> memref<1x1x25x80xi32, #tpu.memory_space<hbm>>
      %dma_start3A_48 = tpu.memref_squeeze %dma_start3A_47 : memref<1x1x25x80xi32, #tpu.memory_space<hbm>> -> memref<25x80xi32, #tpu.memory_space<hbm>>
      tpu.enqueue_dma source(%dma_start3A_48 : memref<25x80xi32, #tpu.memory_space<hbm>>) target(%arg6 : memref<25x80xi32, #tpu.memory_space<vmem>>) target_semaphore(%run_scoped3A_41 : memref<!tpu.dma_semaphore, #tpu.memory_space<semaphore_mem>>)
      %dma_wait3A = arith.constant 0 : i32
      %dma_wait3A_49 = arith.constant 0 : i32
      %dma_wait3A_50 = tpu.memref_slice %arg2[%add3A, %run_scoped3A, %dma_wait3A, %dma_wait3A_49] : memref<32x5x25x80xi32, #tpu.memory_space<hbm>> -> memref<1x1x25x80xi32, #tpu.memory_space<hbm>>
      %dma_wait3A_51 = tpu.memref_squeeze %dma_wait3A_50 : memref<1x1x25x80xi32, #tpu.memory_space<hbm>> -> memref<25x80xi32, #tpu.memory_space<hbm>>
      %dma_wait3A_52 = arith.constant 0 : i32
      %dma_wait3A_53 = arith.constant 0 : i32
      %dma_wait3A_54 = tpu.memref_slice %arg2[%add3A, %run_scoped3A, %dma_wait3A_52, %dma_wait3A_53] : memref<32x5x25x80xi32, #tpu.memory_space<hbm>> -> memref<1x1x25x80xi32, #tpu.memory_space<hbm>>
      %dma_wait3A_55 = tpu.memref_squeeze %dma_wait3A_54 : memref<1x1x25x80xi32, #tpu.memory_space<hbm>> -> memref<25x80xi32, #tpu.memory_space<hbm>>
      tpu.wait_dma2 semaphore(%run_scoped3A_41 : memref<!tpu.dma_semaphore, #tpu.memory_space<semaphore_mem>>) src(%dma_wait3A_55 : memref<25x80xi32, #tpu.memory_space<hbm>>) dst(%arg6 : memref<25x80xi32, #tpu.memory_space<vmem>>)
      tpu.yield
    }) : () -> ()
    %scan3A = arith.constant 0 : i32
    %scan3A_3 = arith.constant 0 : i32
    %scan3A_4 = arith.constant 25 : i32
    %scan3A_5 = arith.addi %scan3A_3, %scan3A_4 : i32
    %scan3A_6 = arith.constant 1 : i32
    scf.for %scan3A_41 = %scan3A_3 to %scan3A_5 step %scan3A_6  : i32 {
      %mul3A_42 = arith.constant 5 : i32
      %mul3A_43 = arith.muli %add3A, %mul3A_42 : i32
      %add3A_44 = arith.constant 0 : i32
      %add3A_45 = arith.addi %mul3A_43, %add3A_44 : i32
      %mul3A_46 = arith.constant 25 : i32
      %mul3A_47 = arith.muli %add3A_45, %mul3A_46 : i32
      %add3A_48 = arith.addi %mul3A_47, %scan3A_41 : i32
      %mul3A_49 = arith.constant 80 : i32
      %mul3A_50 = arith.muli %add3A_48, %mul3A_49 : i32
      "tpu.region"() ({
        %run_scoped3A_51 = tpu.sem_alloc : memref<!tpu.dma_semaphore, #tpu.memory_space<semaphore_mem>>
        %dma_start3A = arith.constant 0 : i32
        %dma_start3A_52 = tpu.memref_slice %arg3[%mul3A_50, %dma_start3A] : memref<320000x16xf32, #tpu.memory_space<hbm>> -> memref<80x16xf32, #tpu.memory_space<hbm>>
        %dma_start3A_53 = arith.constant 0 : i32
        %dma_start3A_54 = tpu.memref_slice %arg3[%mul3A_50, %dma_start3A_53] : memref<320000x16xf32, #tpu.memory_space<hbm>> -> memref<80x16xf32, #tpu.memory_space<hbm>>
        tpu.enqueue_dma source(%dma_start3A_54 : memref<80x16xf32, #tpu.memory_space<hbm>>) target(%arg7 : memref<80x16xf32, #tpu.memory_space<vmem>>) target_semaphore(%run_scoped3A_51 : memref<!tpu.dma_semaphore, #tpu.memory_space<semaphore_mem>>)
        %dma_wait3A = arith.constant 0 : i32
        %dma_wait3A_55 = tpu.memref_slice %arg3[%mul3A_50, %dma_wait3A] : memref<320000x16xf32, #tpu.memory_space<hbm>> -> memref<80x16xf32, #tpu.memory_space<hbm>>
        %dma_wait3A_56 = arith.constant 0 : i32
        %dma_wait3A_57 = tpu.memref_slice %arg3[%mul3A_50, %dma_wait3A_56] : memref<320000x16xf32, #tpu.memory_space<hbm>> -> memref<80x16xf32, #tpu.memory_space<hbm>>
        tpu.wait_dma2 semaphore(%run_scoped3A_51 : memref<!tpu.dma_semaphore, #tpu.memory_space<semaphore_mem>>) src(%dma_wait3A_57 : memref<80x16xf32, #tpu.memory_space<hbm>>) dst(%arg7 : memref<80x16xf32, #tpu.memory_space<vmem>>)
        tpu.yield
      }) : () -> ()
      "tpu.region"() ({
        %run_scoped3A_51 = tpu.sem_alloc : memref<!tpu.dma_semaphore, #tpu.memory_space<semaphore_mem>>
        %dma_start3A = arith.constant 0 : i32
        %dma_start3A_52 = tpu.memref_slice %arg6[%scan3A_41, %dma_start3A] : memref<25x80xi32, #tpu.memory_space<vmem>> -> memref<1x80xi32, #tpu.memory_space<vmem>>
        %dma_start3A_53 = tpu.memref_squeeze %dma_start3A_52 : memref<1x80xi32, #tpu.memory_space<vmem>> -> memref<80xi32, #tpu.memory_space<vmem>>
        %dma_start3A_54 = arith.constant 0 : i32
        %dma_start3A_55 = arith.constant 0 : i32
        %dma_start3A_56 = tpu.memref_slice %arg8[%dma_start3A_54, %dma_start3A_55] : memref<10240x16xf32, #tpu.memory_space<vmem_shared>> -> memref<10240x16xf32, #tpu.memory_space<vmem_shared>>
        tpu.enqueue_indirect_dma source(%arg7 : memref<80x16xf32, #tpu.memory_space<vmem>>) target(%dma_start3A_56 : memref<10240x16xf32, #tpu.memory_space<vmem_shared>>) offsets(%dma_start3A_53 : memref<80xi32, #tpu.memory_space<vmem>>) semaphore(%run_scoped3A_51 : memref<!tpu.dma_semaphore, #tpu.memory_space<semaphore_mem>>) {add = true}
        %dma_wait3A = arith.constant 0 : i32
        %dma_wait3A_57 = tpu.memref_slice %arg6[%scan3A_41, %dma_wait3A] : memref<25x80xi32, #tpu.memory_space<vmem>> -> memref<1x80xi32, #tpu.memory_space<vmem>>
        %dma_wait3A_58 = tpu.memref_squeeze %dma_wait3A_57 : memref<1x80xi32, #tpu.memory_space<vmem>> -> memref<80xi32, #tpu.memory_space<vmem>>
        %dma_wait3A_59 = arith.constant 0 : i32
        %dma_wait3A_60 = arith.constant 0 : i32
        %dma_wait3A_61 = tpu.memref_slice %arg8[%dma_wait3A_59, %dma_wait3A_60] : memref<10240x16xf32, #tpu.memory_space<vmem_shared>> -> memref<10240x16xf32, #tpu.memory_space<vmem_shared>>
        tpu.wait_indirect_dma semaphore(%run_scoped3A_51 : memref<!tpu.dma_semaphore, #tpu.memory_space<semaphore_mem>>) src(%arg7 : memref<80x16xf32, #tpu.memory_space<vmem>>) dst(%dma_wait3A_61 : memref<10240x16xf32, #tpu.memory_space<vmem_shared>>)
        tpu.yield
      }) : () -> ()
    }
    %scan3A_7 = arith.constant 25 : i32
    %run_scoped3A_8 = arith.constant 1 : i32
    "tpu.region"() ({
      %run_scoped3A_41 = tpu.sem_alloc : memref<!tpu.dma_semaphore, #tpu.memory_space<semaphore_mem>>
      %dma_start3A = arith.constant 0 : i32
      %dma_start3A_42 = arith.constant 0 : i32
      %dma_start3A_43 = tpu.memref_slice %arg2[%add3A, %run_scoped3A_8, %dma_start3A, %dma_start3A_42] : memref<32x5x25x80xi32, #tpu.memory_space<hbm>> -> memref<1x1x25x80xi32, #tpu.memory_space<hbm>>
      %dma_start3A_44 = tpu.memref_squeeze %dma_start3A_43 : memref<1x1x25x80xi32, #tpu.memory_space<hbm>> -> memref<25x80xi32, #tpu.memory_space<hbm>>
      %dma_start3A_45 = arith.constant 0 : i32
      %dma_start3A_46 = arith.constant 0 : i32
      %dma_start3A_47 = tpu.memref_slice %arg2[%add3A, %run_scoped3A_8, %dma_start3A_45, %dma_start3A_46] : memref<32x5x25x80xi32, #tpu.memory_space<hbm>> -> memref<1x1x25x80xi32, #tpu.memory_space<hbm>>
      %dma_start3A_48 = tpu.memref_squeeze %dma_start3A_47 : memref<1x1x25x80xi32, #tpu.memory_space<hbm>> -> memref<25x80xi32, #tpu.memory_space<hbm>>
      tpu.enqueue_dma source(%dma_start3A_48 : memref<25x80xi32, #tpu.memory_space<hbm>>) target(%arg6 : memref<25x80xi32, #tpu.memory_space<vmem>>) target_semaphore(%run_scoped3A_41 : memref<!tpu.dma_semaphore, #tpu.memory_space<semaphore_mem>>)
      %dma_wait3A = arith.constant 0 : i32
      %dma_wait3A_49 = arith.constant 0 : i32
      %dma_wait3A_50 = tpu.memref_slice %arg2[%add3A, %run_scoped3A_8, %dma_wait3A, %dma_wait3A_49] : memref<32x5x25x80xi32, #tpu.memory_space<hbm>> -> memref<1x1x25x80xi32, #tpu.memory_space<hbm>>
      %dma_wait3A_51 = tpu.memref_squeeze %dma_wait3A_50 : memref<1x1x25x80xi32, #tpu.memory_space<hbm>> -> memref<25x80xi32, #tpu.memory_space<hbm>>
      %dma_wait3A_52 = arith.constant 0 : i32
      %dma_wait3A_53 = arith.constant 0 : i32
      %dma_wait3A_54 = tpu.memref_slice %arg2[%add3A, %run_scoped3A_8, %dma_wait3A_52, %dma_wait3A_53] : memref<32x5x25x80xi32, #tpu.memory_space<hbm>> -> memref<1x1x25x80xi32, #tpu.memory_space<hbm>>
      %dma_wait3A_55 = tpu.memref_squeeze %dma_wait3A_54 : memref<1x1x25x80xi32, #tpu.memory_space<hbm>> -> memref<25x80xi32, #tpu.memory_space<hbm>>
      tpu.wait_dma2 semaphore(%run_scoped3A_41 : memref<!tpu.dma_semaphore, #tpu.memory_space<semaphore_mem>>) src(%dma_wait3A_55 : memref<25x80xi32, #tpu.memory_space<hbm>>) dst(%arg6 : memref<25x80xi32, #tpu.memory_space<vmem>>)
      tpu.yield
    }) : () -> ()
    %scan3A_9 = arith.constant 0 : i32
    %scan3A_10 = arith.constant 0 : i32
    %scan3A_11 = arith.constant 25 : i32
    %scan3A_12 = arith.addi %scan3A_10, %scan3A_11 : i32
    %scan3A_13 = arith.constant 1 : i32
    scf.for %scan3A_41 = %scan3A_10 to %scan3A_12 step %scan3A_13  : i32 {
      %mul3A_42 = arith.constant 5 : i32
      %mul3A_43 = arith.muli %add3A, %mul3A_42 : i32
      %add3A_44 = arith.constant 1 : i32
      %add3A_45 = arith.addi %mul3A_43, %add3A_44 : i32
      %mul3A_46 = arith.constant 25 : i32
      %mul3A_47 = arith.muli %add3A_45, %mul3A_46 : i32
      %add3A_48 = arith.addi %mul3A_47, %scan3A_41 : i32
      %mul3A_49 = arith.constant 80 : i32
      %mul3A_50 = arith.muli %add3A_48, %mul3A_49 : i32
      "tpu.region"() ({
        %run_scoped3A_51 = tpu.sem_alloc : memref<!tpu.dma_semaphore, #tpu.memory_space<semaphore_mem>>
        %dma_start3A = arith.constant 0 : i32
        %dma_start3A_52 = tpu.memref_slice %arg3[%mul3A_50, %dma_start3A] : memref<320000x16xf32, #tpu.memory_space<hbm>> -> memref<80x16xf32, #tpu.memory_space<hbm>>
        %dma_start3A_53 = arith.constant 0 : i32
        %dma_start3A_54 = tpu.memref_slice %arg3[%mul3A_50, %dma_start3A_53] : memref<320000x16xf32, #tpu.memory_space<hbm>> -> memref<80x16xf32, #tpu.memory_space<hbm>>
        tpu.enqueue_dma source(%dma_start3A_54 : memref<80x16xf32, #tpu.memory_space<hbm>>) target(%arg7 : memref<80x16xf32, #tpu.memory_space<vmem>>) target_semaphore(%run_scoped3A_51 : memref<!tpu.dma_semaphore, #tpu.memory_space<semaphore_mem>>)
        %dma_wait3A = arith.constant 0 : i32
        %dma_wait3A_55 = tpu.memref_slice %arg3[%mul3A_50, %dma_wait3A] : memref<320000x16xf32, #tpu.memory_space<hbm>> -> memref<80x16xf32, #tpu.memory_space<hbm>>
        %dma_wait3A_56 = arith.constant 0 : i32
        %dma_wait3A_57 = tpu.memref_slice %arg3[%mul3A_50, %dma_wait3A_56] : memref<320000x16xf32, #tpu.memory_space<hbm>> -> memref<80x16xf32, #tpu.memory_space<hbm>>
        tpu.wait_dma2 semaphore(%run_scoped3A_51 : memref<!tpu.dma_semaphore, #tpu.memory_space<semaphore_mem>>) src(%dma_wait3A_57 : memref<80x16xf32, #tpu.memory_space<hbm>>) dst(%arg7 : memref<80x16xf32, #tpu.memory_space<vmem>>)
        tpu.yield
      }) : () -> ()
      "tpu.region"() ({
        %run_scoped3A_51 = tpu.sem_alloc : memref<!tpu.dma_semaphore, #tpu.memory_space<semaphore_mem>>
        %dma_start3A = arith.constant 0 : i32
        %dma_start3A_52 = tpu.memref_slice %arg6[%scan3A_41, %dma_start3A] : memref<25x80xi32, #tpu.memory_space<vmem>> -> memref<1x80xi32, #tpu.memory_space<vmem>>
        %dma_start3A_53 = tpu.memref_squeeze %dma_start3A_52 : memref<1x80xi32, #tpu.memory_space<vmem>> -> memref<80xi32, #tpu.memory_space<vmem>>
        %dma_start3A_54 = arith.constant 0 : i32
        %dma_start3A_55 = arith.constant 0 : i32
        %dma_start3A_56 = tpu.memref_slice %arg8[%dma_start3A_54, %dma_start3A_55] : memref<10240x16xf32, #tpu.memory_space<vmem_shared>> -> memref<10240x16xf32, #tpu.memory_space<vmem_shared>>
        tpu.enqueue_indirect_dma source(%arg7 : memref<80x16xf32, #tpu.memory_space<vmem>>) target(%dma_start3A_56 : memref<10240x16xf32, #tpu.memory_space<vmem_shared>>) offsets(%dma_start3A_53 : memref<80xi32, #tpu.memory_space<vmem>>) semaphore(%run_scoped3A_51 : memref<!tpu.dma_semaphore, #tpu.memory_space<semaphore_mem>>) {add = true}
        %dma_wait3A = arith.constant 0 : i32
        %dma_wait3A_57 = tpu.memref_slice %arg6[%scan3A_41, %dma_wait3A] : memref<25x80xi32, #tpu.memory_space<vmem>> -> memref<1x80xi32, #tpu.memory_space<vmem>>
        %dma_wait3A_58 = tpu.memref_squeeze %dma_wait3A_57 : memref<1x80xi32, #tpu.memory_space<vmem>> -> memref<80xi32, #tpu.memory_space<vmem>>
        %dma_wait3A_59 = arith.constant 0 : i32
        %dma_wait3A_60 = arith.constant 0 : i32
        %dma_wait3A_61 = tpu.memref_slice %arg8[%dma_wait3A_59, %dma_wait3A_60] : memref<10240x16xf32, #tpu.memory_space<vmem_shared>> -> memref<10240x16xf32, #tpu.memory_space<vmem_shared>>
        tpu.wait_indirect_dma semaphore(%run_scoped3A_51 : memref<!tpu.dma_semaphore, #tpu.memory_space<semaphore_mem>>) src(%arg7 : memref<80x16xf32, #tpu.memory_space<vmem>>) dst(%dma_wait3A_61 : memref<10240x16xf32, #tpu.memory_space<vmem_shared>>)
        tpu.yield
      }) : () -> ()
    }
    %scan3A_14 = arith.constant 25 : i32
    %run_scoped3A_15 = arith.constant 2 : i32
    "tpu.region"() ({
      %run_scoped3A_41 = tpu.sem_alloc : memref<!tpu.dma_semaphore, #tpu.memory_space<semaphore_mem>>
      %dma_start3A = arith.constant 0 : i32
      %dma_start3A_42 = arith.constant 0 : i32
      %dma_start3A_43 = tpu.memref_slice %arg2[%add3A, %run_scoped3A_15, %dma_start3A, %dma_start3A_42] : memref<32x5x25x80xi32, #tpu.memory_space<hbm>> -> memref<1x1x25x80xi32, #tpu.memory_space<hbm>>
      %dma_start3A_44 = tpu.memref_squeeze %dma_start3A_43 : memref<1x1x25x80xi32, #tpu.memory_space<hbm>> -> memref<25x80xi32, #tpu.memory_space<hbm>>
      %dma_start3A_45 = arith.constant 0 : i32
      %dma_start3A_46 = arith.constant 0 : i32
      %dma_start3A_47 = tpu.memref_slice %arg2[%add3A, %run_scoped3A_15, %dma_start3A_45, %dma_start3A_46] : memref<32x5x25x80xi32, #tpu.memory_space<hbm>> -> memref<1x1x25x80xi32, #tpu.memory_space<hbm>>
      %dma_start3A_48 = tpu.memref_squeeze %dma_start3A_47 : memref<1x1x25x80xi32, #tpu.memory_space<hbm>> -> memref<25x80xi32, #tpu.memory_space<hbm>>
      tpu.enqueue_dma source(%dma_start3A_48 : memref<25x80xi32, #tpu.memory_space<hbm>>) target(%arg6 : memref<25x80xi32, #tpu.memory_space<vmem>>) target_semaphore(%run_scoped3A_41 : memref<!tpu.dma_semaphore, #tpu.memory_space<semaphore_mem>>)
      %dma_wait3A = arith.constant 0 : i32
      %dma_wait3A_49 = arith.constant 0 : i32
      %dma_wait3A_50 = tpu.memref_slice %arg2[%add3A, %run_scoped3A_15, %dma_wait3A, %dma_wait3A_49] : memref<32x5x25x80xi32, #tpu.memory_space<hbm>> -> memref<1x1x25x80xi32, #tpu.memory_space<hbm>>
      %dma_wait3A_51 = tpu.memref_squeeze %dma_wait3A_50 : memref<1x1x25x80xi32, #tpu.memory_space<hbm>> -> memref<25x80xi32, #tpu.memory_space<hbm>>
      %dma_wait3A_52 = arith.constant 0 : i32
      %dma_wait3A_53 = arith.constant 0 : i32
      %dma_wait3A_54 = tpu.memref_slice %arg2[%add3A, %run_scoped3A_15, %dma_wait3A_52, %dma_wait3A_53] : memref<32x5x25x80xi32, #tpu.memory_space<hbm>> -> memref<1x1x25x80xi32, #tpu.memory_space<hbm>>
      %dma_wait3A_55 = tpu.memref_squeeze %dma_wait3A_54 : memref<1x1x25x80xi32, #tpu.memory_space<hbm>> -> memref<25x80xi32, #tpu.memory_space<hbm>>
      tpu.wait_dma2 semaphore(%run_scoped3A_41 : memref<!tpu.dma_semaphore, #tpu.memory_space<semaphore_mem>>) src(%dma_wait3A_55 : memref<25x80xi32, #tpu.memory_space<hbm>>) dst(%arg6 : memref<25x80xi32, #tpu.memory_space<vmem>>)
      tpu.yield
    }) : () -> ()
    %scan3A_16 = arith.constant 0 : i32
    %scan3A_17 = arith.constant 0 : i32
    %scan3A_18 = arith.constant 25 : i32
    %scan3A_19 = arith.addi %scan3A_17, %scan3A_18 : i32
    %scan3A_20 = arith.constant 1 : i32
    scf.for %scan3A_41 = %scan3A_17 to %scan3A_19 step %scan3A_20  : i32 {
      %mul3A_42 = arith.constant 5 : i32
      %mul3A_43 = arith.muli %add3A, %mul3A_42 : i32
      %add3A_44 = arith.constant 2 : i32
      %add3A_45 = arith.addi %mul3A_43, %add3A_44 : i32
      %mul3A_46 = arith.constant 25 : i32
      %mul3A_47 = arith.muli %add3A_45, %mul3A_46 : i32
      %add3A_48 = arith.addi %mul3A_47, %scan3A_41 : i32
      %mul3A_49 = arith.constant 80 : i32
      %mul3A_50 = arith.muli %add3A_48, %mul3A_49 : i32
      "tpu.region"() ({
        %run_scoped3A_51 = tpu.sem_alloc : memref<!tpu.dma_semaphore, #tpu.memory_space<semaphore_mem>>
        %dma_start3A = arith.constant 0 : i32
        %dma_start3A_52 = tpu.memref_slice %arg3[%mul3A_50, %dma_start3A] : memref<320000x16xf32, #tpu.memory_space<hbm>> -> memref<80x16xf32, #tpu.memory_space<hbm>>
        %dma_start3A_53 = arith.constant 0 : i32
        %dma_start3A_54 = tpu.memref_slice %arg3[%mul3A_50, %dma_start3A_53] : memref<320000x16xf32, #tpu.memory_space<hbm>> -> memref<80x16xf32, #tpu.memory_space<hbm>>
        tpu.enqueue_dma source(%dma_start3A_54 : memref<80x16xf32, #tpu.memory_space<hbm>>) target(%arg7 : memref<80x16xf32, #tpu.memory_space<vmem>>) target_semaphore(%run_scoped3A_51 : memref<!tpu.dma_semaphore, #tpu.memory_space<semaphore_mem>>)
        %dma_wait3A = arith.constant 0 : i32
        %dma_wait3A_55 = tpu.memref_slice %arg3[%mul3A_50, %dma_wait3A] : memref<320000x16xf32, #tpu.memory_space<hbm>> -> memref<80x16xf32, #tpu.memory_space<hbm>>
        %dma_wait3A_56 = arith.constant 0 : i32
        %dma_wait3A_57 = tpu.memref_slice %arg3[%mul3A_50, %dma_wait3A_56] : memref<320000x16xf32, #tpu.memory_space<hbm>> -> memref<80x16xf32, #tpu.memory_space<hbm>>
        tpu.wait_dma2 semaphore(%run_scoped3A_51 : memref<!tpu.dma_semaphore, #tpu.memory_space<semaphore_mem>>) src(%dma_wait3A_57 : memref<80x16xf32, #tpu.memory_space<hbm>>) dst(%arg7 : memref<80x16xf32, #tpu.memory_space<vmem>>)
        tpu.yield
      }) : () -> ()
      "tpu.region"() ({
        %run_scoped3A_51 = tpu.sem_alloc : memref<!tpu.dma_semaphore, #tpu.memory_space<semaphore_mem>>
        %dma_start3A = arith.constant 0 : i32
        %dma_start3A_52 = tpu.memref_slice %arg6[%scan3A_41, %dma_start3A] : memref<25x80xi32, #tpu.memory_space<vmem>> -> memref<1x80xi32, #tpu.memory_space<vmem>>
        %dma_start3A_53 = tpu.memref_squeeze %dma_start3A_52 : memref<1x80xi32, #tpu.memory_space<vmem>> -> memref<80xi32, #tpu.memory_space<vmem>>
        %dma_start3A_54 = arith.constant 0 : i32
        %dma_start3A_55 = arith.constant 0 : i32
        %dma_start3A_56 = tpu.memref_slice %arg8[%dma_start3A_54, %dma_start3A_55] : memref<10240x16xf32, #tpu.memory_space<vmem_shared>> -> memref<10240x16xf32, #tpu.memory_space<vmem_shared>>
        tpu.enqueue_indirect_dma source(%arg7 : memref<80x16xf32, #tpu.memory_space<vmem>>) target(%dma_start3A_56 : memref<10240x16xf32, #tpu.memory_space<vmem_shared>>) offsets(%dma_start3A_53 : memref<80xi32, #tpu.memory_space<vmem>>) semaphore(%run_scoped3A_51 : memref<!tpu.dma_semaphore, #tpu.memory_space<semaphore_mem>>) {add = true}
        %dma_wait3A = arith.constant 0 : i32
        %dma_wait3A_57 = tpu.memref_slice %arg6[%scan3A_41, %dma_wait3A] : memref<25x80xi32, #tpu.memory_space<vmem>> -> memref<1x80xi32, #tpu.memory_space<vmem>>
        %dma_wait3A_58 = tpu.memref_squeeze %dma_wait3A_57 : memref<1x80xi32, #tpu.memory_space<vmem>> -> memref<80xi32, #tpu.memory_space<vmem>>
        %dma_wait3A_59 = arith.constant 0 : i32
        %dma_wait3A_60 = arith.constant 0 : i32
        %dma_wait3A_61 = tpu.memref_slice %arg8[%dma_wait3A_59, %dma_wait3A_60] : memref<10240x16xf32, #tpu.memory_space<vmem_shared>> -> memref<10240x16xf32, #tpu.memory_space<vmem_shared>>
        tpu.wait_indirect_dma semaphore(%run_scoped3A_51 : memref<!tpu.dma_semaphore, #tpu.memory_space<semaphore_mem>>) src(%arg7 : memref<80x16xf32, #tpu.memory_space<vmem>>) dst(%dma_wait3A_61 : memref<10240x16xf32, #tpu.memory_space<vmem_shared>>)
        tpu.yield
      }) : () -> ()
    }
    %scan3A_21 = arith.constant 25 : i32
    %run_scoped3A_22 = arith.constant 3 : i32
    "tpu.region"() ({
      %run_scoped3A_41 = tpu.sem_alloc : memref<!tpu.dma_semaphore, #tpu.memory_space<semaphore_mem>>
      %dma_start3A = arith.constant 0 : i32
      %dma_start3A_42 = arith.constant 0 : i32
      %dma_start3A_43 = tpu.memref_slice %arg2[%add3A, %run_scoped3A_22, %dma_start3A, %dma_start3A_42] : memref<32x5x25x80xi32, #tpu.memory_space<hbm>> -> memref<1x1x25x80xi32, #tpu.memory_space<hbm>>
      %dma_start3A_44 = tpu.memref_squeeze %dma_start3A_43 : memref<1x1x25x80xi32, #tpu.memory_space<hbm>> -> memref<25x80xi32, #tpu.memory_space<hbm>>
      %dma_start3A_45 = arith.constant 0 : i32
      %dma_start3A_46 = arith.constant 0 : i32
      %dma_start3A_47 = tpu.memref_slice %arg2[%add3A, %run_scoped3A_22, %dma_start3A_45, %dma_start3A_46] : memref<32x5x25x80xi32, #tpu.memory_space<hbm>> -> memref<1x1x25x80xi32, #tpu.memory_space<hbm>>
      %dma_start3A_48 = tpu.memref_squeeze %dma_start3A_47 : memref<1x1x25x80xi32, #tpu.memory_space<hbm>> -> memref<25x80xi32, #tpu.memory_space<hbm>>
      tpu.enqueue_dma source(%dma_start3A_48 : memref<25x80xi32, #tpu.memory_space<hbm>>) target(%arg6 : memref<25x80xi32, #tpu.memory_space<vmem>>) target_semaphore(%run_scoped3A_41 : memref<!tpu.dma_semaphore, #tpu.memory_space<semaphore_mem>>)
      %dma_wait3A = arith.constant 0 : i32
      %dma_wait3A_49 = arith.constant 0 : i32
      %dma_wait3A_50 = tpu.memref_slice %arg2[%add3A, %run_scoped3A_22, %dma_wait3A, %dma_wait3A_49] : memref<32x5x25x80xi32, #tpu.memory_space<hbm>> -> memref<1x1x25x80xi32, #tpu.memory_space<hbm>>
      %dma_wait3A_51 = tpu.memref_squeeze %dma_wait3A_50 : memref<1x1x25x80xi32, #tpu.memory_space<hbm>> -> memref<25x80xi32, #tpu.memory_space<hbm>>
      %dma_wait3A_52 = arith.constant 0 : i32
      %dma_wait3A_53 = arith.constant 0 : i32
      %dma_wait3A_54 = tpu.memref_slice %arg2[%add3A, %run_scoped3A_22, %dma_wait3A_52, %dma_wait3A_53] : memref<32x5x25x80xi32, #tpu.memory_space<hbm>> -> memref<1x1x25x80xi32, #tpu.memory_space<hbm>>
      %dma_wait3A_55 = tpu.memref_squeeze %dma_wait3A_54 : memref<1x1x25x80xi32, #tpu.memory_space<hbm>> -> memref<25x80xi32, #tpu.memory_space<hbm>>
      tpu.wait_dma2 semaphore(%run_scoped3A_41 : memref<!tpu.dma_semaphore, #tpu.memory_space<semaphore_mem>>) src(%dma_wait3A_55 : memref<25x80xi32, #tpu.memory_space<hbm>>) dst(%arg6 : memref<25x80xi32, #tpu.memory_space<vmem>>)
      tpu.yield
    }) : () -> ()
    %scan3A_23 = arith.constant 0 : i32
    %scan3A_24 = arith.constant 0 : i32
    %scan3A_25 = arith.constant 25 : i32
    %scan3A_26 = arith.addi %scan3A_24, %scan3A_25 : i32
    %scan3A_27 = arith.constant 1 : i32
    scf.for %scan3A_41 = %scan3A_24 to %scan3A_26 step %scan3A_27  : i32 {
      %mul3A_42 = arith.constant 5 : i32
      %mul3A_43 = arith.muli %add3A, %mul3A_42 : i32
      %add3A_44 = arith.constant 3 : i32
      %add3A_45 = arith.addi %mul3A_43, %add3A_44 : i32
      %mul3A_46 = arith.constant 25 : i32
      %mul3A_47 = arith.muli %add3A_45, %mul3A_46 : i32
      %add3A_48 = arith.addi %mul3A_47, %scan3A_41 : i32
      %mul3A_49 = arith.constant 80 : i32
      %mul3A_50 = arith.muli %add3A_48, %mul3A_49 : i32
      "tpu.region"() ({
        %run_scoped3A_51 = tpu.sem_alloc : memref<!tpu.dma_semaphore, #tpu.memory_space<semaphore_mem>>
        %dma_start3A = arith.constant 0 : i32
        %dma_start3A_52 = tpu.memref_slice %arg3[%mul3A_50, %dma_start3A] : memref<320000x16xf32, #tpu.memory_space<hbm>> -> memref<80x16xf32, #tpu.memory_space<hbm>>
        %dma_start3A_53 = arith.constant 0 : i32
        %dma_start3A_54 = tpu.memref_slice %arg3[%mul3A_50, %dma_start3A_53] : memref<320000x16xf32, #tpu.memory_space<hbm>> -> memref<80x16xf32, #tpu.memory_space<hbm>>
        tpu.enqueue_dma source(%dma_start3A_54 : memref<80x16xf32, #tpu.memory_space<hbm>>) target(%arg7 : memref<80x16xf32, #tpu.memory_space<vmem>>) target_semaphore(%run_scoped3A_51 : memref<!tpu.dma_semaphore, #tpu.memory_space<semaphore_mem>>)
        %dma_wait3A = arith.constant 0 : i32
        %dma_wait3A_55 = tpu.memref_slice %arg3[%mul3A_50, %dma_wait3A] : memref<320000x16xf32, #tpu.memory_space<hbm>> -> memref<80x16xf32, #tpu.memory_space<hbm>>
        %dma_wait3A_56 = arith.constant 0 : i32
        %dma_wait3A_57 = tpu.memref_slice %arg3[%mul3A_50, %dma_wait3A_56] : memref<320000x16xf32, #tpu.memory_space<hbm>> -> memref<80x16xf32, #tpu.memory_space<hbm>>
        tpu.wait_dma2 semaphore(%run_scoped3A_51 : memref<!tpu.dma_semaphore, #tpu.memory_space<semaphore_mem>>) src(%dma_wait3A_57 : memref<80x16xf32, #tpu.memory_space<hbm>>) dst(%arg7 : memref<80x16xf32, #tpu.memory_space<vmem>>)
        tpu.yield
      }) : () -> ()
      "tpu.region"() ({
        %run_scoped3A_51 = tpu.sem_alloc : memref<!tpu.dma_semaphore, #tpu.memory_space<semaphore_mem>>
        %dma_start3A = arith.constant 0 : i32
        %dma_start3A_52 = tpu.memref_slice %arg6[%scan3A_41, %dma_start3A] : memref<25x80xi32, #tpu.memory_space<vmem>> -> memref<1x80xi32, #tpu.memory_space<vmem>>
        %dma_start3A_53 = tpu.memref_squeeze %dma_start3A_52 : memref<1x80xi32, #tpu.memory_space<vmem>> -> memref<80xi32, #tpu.memory_space<vmem>>
        %dma_start3A_54 = arith.constant 0 : i32
        %dma_start3A_55 = arith.constant 0 : i32
        %dma_start3A_56 = tpu.memref_slice %arg8[%dma_start3A_54, %dma_start3A_55] : memref<10240x16xf32, #tpu.memory_space<vmem_shared>> -> memref<10240x16xf32, #tpu.memory_space<vmem_shared>>
        tpu.enqueue_indirect_dma source(%arg7 : memref<80x16xf32, #tpu.memory_space<vmem>>) target(%dma_start3A_56 : memref<10240x16xf32, #tpu.memory_space<vmem_shared>>) offsets(%dma_start3A_53 : memref<80xi32, #tpu.memory_space<vmem>>) semaphore(%run_scoped3A_51 : memref<!tpu.dma_semaphore, #tpu.memory_space<semaphore_mem>>) {add = true}
        %dma_wait3A = arith.constant 0 : i32
        %dma_wait3A_57 = tpu.memref_slice %arg6[%scan3A_41, %dma_wait3A] : memref<25x80xi32, #tpu.memory_space<vmem>> -> memref<1x80xi32, #tpu.memory_space<vmem>>
        %dma_wait3A_58 = tpu.memref_squeeze %dma_wait3A_57 : memref<1x80xi32, #tpu.memory_space<vmem>> -> memref<80xi32, #tpu.memory_space<vmem>>
        %dma_wait3A_59 = arith.constant 0 : i32
        %dma_wait3A_60 = arith.constant 0 : i32
        %dma_wait3A_61 = tpu.memref_slice %arg8[%dma_wait3A_59, %dma_wait3A_60] : memref<10240x16xf32, #tpu.memory_space<vmem_shared>> -> memref<10240x16xf32, #tpu.memory_space<vmem_shared>>
        tpu.wait_indirect_dma semaphore(%run_scoped3A_51 : memref<!tpu.dma_semaphore, #tpu.memory_space<semaphore_mem>>) src(%arg7 : memref<80x16xf32, #tpu.memory_space<vmem>>) dst(%dma_wait3A_61 : memref<10240x16xf32, #tpu.memory_space<vmem_shared>>)
        tpu.yield
      }) : () -> ()
    }
    %scan3A_28 = arith.constant 25 : i32
    %run_scoped3A_29 = arith.constant 4 : i32
    "tpu.region"() ({
      %run_scoped3A_41 = tpu.sem_alloc : memref<!tpu.dma_semaphore, #tpu.memory_space<semaphore_mem>>
      %dma_start3A = arith.constant 0 : i32
      %dma_start3A_42 = arith.constant 0 : i32
      %dma_start3A_43 = tpu.memref_slice %arg2[%add3A, %run_scoped3A_29, %dma_start3A, %dma_start3A_42] : memref<32x5x25x80xi32, #tpu.memory_space<hbm>> -> memref<1x1x25x80xi32, #tpu.memory_space<hbm>>
      %dma_start3A_44 = tpu.memref_squeeze %dma_start3A_43 : memref<1x1x25x80xi32, #tpu.memory_space<hbm>> -> memref<25x80xi32, #tpu.memory_space<hbm>>
      %dma_start3A_45 = arith.constant 0 : i32
      %dma_start3A_46 = arith.constant 0 : i32
      %dma_start3A_47 = tpu.memref_slice %arg2[%add3A, %run_scoped3A_29, %dma_start3A_45, %dma_start3A_46] : memref<32x5x25x80xi32, #tpu.memory_space<hbm>> -> memref<1x1x25x80xi32, #tpu.memory_space<hbm>>
      %dma_start3A_48 = tpu.memref_squeeze %dma_start3A_47 : memref<1x1x25x80xi32, #tpu.memory_space<hbm>> -> memref<25x80xi32, #tpu.memory_space<hbm>>
      tpu.enqueue_dma source(%dma_start3A_48 : memref<25x80xi32, #tpu.memory_space<hbm>>) target(%arg6 : memref<25x80xi32, #tpu.memory_space<vmem>>) target_semaphore(%run_scoped3A_41 : memref<!tpu.dma_semaphore, #tpu.memory_space<semaphore_mem>>)
      %dma_wait3A = arith.constant 0 : i32
      %dma_wait3A_49 = arith.constant 0 : i32
      %dma_wait3A_50 = tpu.memref_slice %arg2[%add3A, %run_scoped3A_29, %dma_wait3A, %dma_wait3A_49] : memref<32x5x25x80xi32, #tpu.memory_space<hbm>> -> memref<1x1x25x80xi32, #tpu.memory_space<hbm>>
      %dma_wait3A_51 = tpu.memref_squeeze %dma_wait3A_50 : memref<1x1x25x80xi32, #tpu.memory_space<hbm>> -> memref<25x80xi32, #tpu.memory_space<hbm>>
      %dma_wait3A_52 = arith.constant 0 : i32
      %dma_wait3A_53 = arith.constant 0 : i32
      %dma_wait3A_54 = tpu.memref_slice %arg2[%add3A, %run_scoped3A_29, %dma_wait3A_52, %dma_wait3A_53] : memref<32x5x25x80xi32, #tpu.memory_space<hbm>> -> memref<1x1x25x80xi32, #tpu.memory_space<hbm>>
      %dma_wait3A_55 = tpu.memref_squeeze %dma_wait3A_54 : memref<1x1x25x80xi32, #tpu.memory_space<hbm>> -> memref<25x80xi32, #tpu.memory_space<hbm>>
      tpu.wait_dma2 semaphore(%run_scoped3A_41 : memref<!tpu.dma_semaphore, #tpu.memory_space<semaphore_mem>>) src(%dma_wait3A_55 : memref<25x80xi32, #tpu.memory_space<hbm>>) dst(%arg6 : memref<25x80xi32, #tpu.memory_space<vmem>>)
      tpu.yield
    }) : () -> ()
    %scan3A_30 = arith.constant 0 : i32
    %scan3A_31 = arith.constant 0 : i32
    %scan3A_32 = arith.constant 25 : i32
    %scan3A_33 = arith.addi %scan3A_31, %scan3A_32 : i32
    %scan3A_34 = arith.constant 1 : i32
    scf.for %scan3A_41 = %scan3A_31 to %scan3A_33 step %scan3A_34  : i32 {
      %mul3A_42 = arith.constant 5 : i32
      %mul3A_43 = arith.muli %add3A, %mul3A_42 : i32
      %add3A_44 = arith.constant 4 : i32
      %add3A_45 = arith.addi %mul3A_43, %add3A_44 : i32
      %mul3A_46 = arith.constant 25 : i32
      %mul3A_47 = arith.muli %add3A_45, %mul3A_46 : i32
      %add3A_48 = arith.addi %mul3A_47, %scan3A_41 : i32
      %mul3A_49 = arith.constant 80 : i32
      %mul3A_50 = arith.muli %add3A_48, %mul3A_49 : i32
      "tpu.region"() ({
        %run_scoped3A_51 = tpu.sem_alloc : memref<!tpu.dma_semaphore, #tpu.memory_space<semaphore_mem>>
        %dma_start3A = arith.constant 0 : i32
        %dma_start3A_52 = tpu.memref_slice %arg3[%mul3A_50, %dma_start3A] : memref<320000x16xf32, #tpu.memory_space<hbm>> -> memref<80x16xf32, #tpu.memory_space<hbm>>
        %dma_start3A_53 = arith.constant 0 : i32
        %dma_start3A_54 = tpu.memref_slice %arg3[%mul3A_50, %dma_start3A_53] : memref<320000x16xf32, #tpu.memory_space<hbm>> -> memref<80x16xf32, #tpu.memory_space<hbm>>
        tpu.enqueue_dma source(%dma_start3A_54 : memref<80x16xf32, #tpu.memory_space<hbm>>) target(%arg7 : memref<80x16xf32, #tpu.memory_space<vmem>>) target_semaphore(%run_scoped3A_51 : memref<!tpu.dma_semaphore, #tpu.memory_space<semaphore_mem>>)
        %dma_wait3A = arith.constant 0 : i32
        %dma_wait3A_55 = tpu.memref_slice %arg3[%mul3A_50, %dma_wait3A] : memref<320000x16xf32, #tpu.memory_space<hbm>> -> memref<80x16xf32, #tpu.memory_space<hbm>>
        %dma_wait3A_56 = arith.constant 0 : i32
        %dma_wait3A_57 = tpu.memref_slice %arg3[%mul3A_50, %dma_wait3A_56] : memref<320000x16xf32, #tpu.memory_space<hbm>> -> memref<80x16xf32, #tpu.memory_space<hbm>>
        tpu.wait_dma2 semaphore(%run_scoped3A_51 : memref<!tpu.dma_semaphore, #tpu.memory_space<semaphore_mem>>) src(%dma_wait3A_57 : memref<80x16xf32, #tpu.memory_space<hbm>>) dst(%arg7 : memref<80x16xf32, #tpu.memory_space<vmem>>)
        tpu.yield
      }) : () -> ()
      "tpu.region"() ({
        %run_scoped3A_51 = tpu.sem_alloc : memref<!tpu.dma_semaphore, #tpu.memory_space<semaphore_mem>>
        %dma_start3A = arith.constant 0 : i32
        %dma_start3A_52 = tpu.memref_slice %arg6[%scan3A_41, %dma_start3A] : memref<25x80xi32, #tpu.memory_space<vmem>> -> memref<1x80xi32, #tpu.memory_space<vmem>>
        %dma_start3A_53 = tpu.memref_squeeze %dma_start3A_52 : memref<1x80xi32, #tpu.memory_space<vmem>> -> memref<80xi32, #tpu.memory_space<vmem>>
        %dma_start3A_54 = arith.constant 0 : i32
        %dma_start3A_55 = arith.constant 0 : i32
        %dma_start3A_56 = tpu.memref_slice %arg8[%dma_start3A_54, %dma_start3A_55] : memref<10240x16xf32, #tpu.memory_space<vmem_shared>> -> memref<10240x16xf32, #tpu.memory_space<vmem_shared>>
        tpu.enqueue_indirect_dma source(%arg7 : memref<80x16xf32, #tpu.memory_space<vmem>>) target(%dma_start3A_56 : memref<10240x16xf32, #tpu.memory_space<vmem_shared>>) offsets(%dma_start3A_53 : memref<80xi32, #tpu.memory_space<vmem>>) semaphore(%run_scoped3A_51 : memref<!tpu.dma_semaphore, #tpu.memory_space<semaphore_mem>>) {add = true}
        %dma_wait3A = arith.constant 0 : i32
        %dma_wait3A_57 = tpu.memref_slice %arg6[%scan3A_41, %dma_wait3A] : memref<25x80xi32, #tpu.memory_space<vmem>> -> memref<1x80xi32, #tpu.memory_space<vmem>>
        %dma_wait3A_58 = tpu.memref_squeeze %dma_wait3A_57 : memref<1x80xi32, #tpu.memory_space<vmem>> -> memref<80xi32, #tpu.memory_space<vmem>>
        %dma_wait3A_59 = arith.constant 0 : i32
        %dma_wait3A_60 = arith.constant 0 : i32
        %dma_wait3A_61 = tpu.memref_slice %arg8[%dma_wait3A_59, %dma_wait3A_60] : memref<10240x16xf32, #tpu.memory_space<vmem_shared>> -> memref<10240x16xf32, #tpu.memory_space<vmem_shared>>
        tpu.wait_indirect_dma semaphore(%run_scoped3A_51 : memref<!tpu.dma_semaphore, #tpu.memory_space<semaphore_mem>>) src(%arg7 : memref<80x16xf32, #tpu.memory_space<vmem>>) dst(%dma_wait3A_61 : memref<10240x16xf32, #tpu.memory_space<vmem_shared>>)
        tpu.yield
      }) : () -> ()
    }
    %scan3A_35 = arith.constant 25 : i32
    %barrier3A_36 = arith.constant 0 : index
    tpu.barrier barrier_id(%barrier3A_36)
    %mul3A_37 = arith.constant 640 : i32
    %mul3A_38 = arith.muli %arg1, %mul3A_37 : i32
    %mul3A_39 = arith.constant 640 : i32
    %mul3A_40 = arith.muli %arg1, %mul3A_39 : i32
    "tpu.region"() ({
      %run_scoped3A_41 = tpu.sem_alloc : memref<!tpu.dma_semaphore, #tpu.memory_space<semaphore_mem>>
      %dma_start3A = arith.constant 0 : i32
      %dma_start3A_42 = tpu.memref_slice %arg5[%arg0, %mul3A_40, %dma_start3A] : memref<2x10240x16xf32, #tpu.memory_space<hbm>> -> memref<1x640x16xf32, #tpu.memory_space<hbm>>
      %dma_start3A_43 = tpu.memref_squeeze %dma_start3A_42 : memref<1x640x16xf32, #tpu.memory_space<hbm>> -> memref<640x16xf32, #tpu.memory_space<hbm>>
      %dma_start3A_44 = arith.constant 0 : i32
      %dma_start3A_45 = tpu.memref_slice %arg8[%mul3A_38, %dma_start3A_44] : memref<10240x16xf32, #tpu.memory_space<vmem_shared>> -> memref<640x16xf32, #tpu.memory_space<vmem_shared>>
      tpu.enqueue_dma source(%dma_start3A_45 : memref<640x16xf32, #tpu.memory_space<vmem_shared>>) target(%dma_start3A_43 : memref<640x16xf32, #tpu.memory_space<hbm>>) target_semaphore(%run_scoped3A_41 : memref<!tpu.dma_semaphore, #tpu.memory_space<semaphore_mem>>)
      %dma_wait3A = arith.constant 0 : i32
      %dma_wait3A_46 = tpu.memref_slice %arg5[%arg0, %mul3A_40, %dma_wait3A] : memref<2x10240x16xf32, #tpu.memory_space<hbm>> -> memref<1x640x16xf32, #tpu.memory_space<hbm>>
      %dma_wait3A_47 = tpu.memref_squeeze %dma_wait3A_46 : memref<1x640x16xf32, #tpu.memory_space<hbm>> -> memref<640x16xf32, #tpu.memory_space<hbm>>
      %dma_wait3A_48 = arith.constant 0 : i32
      %dma_wait3A_49 = tpu.memref_slice %arg8[%mul3A_38, %dma_wait3A_48] : memref<10240x16xf32, #tpu.memory_space<vmem_shared>> -> memref<640x16xf32, #tpu.memory_space<vmem_shared>>
      tpu.wait_dma2 semaphore(%run_scoped3A_41 : memref<!tpu.dma_semaphore, #tpu.memory_space<semaphore_mem>>) src(%dma_wait3A_49 : memref<640x16xf32, #tpu.memory_space<vmem_shared>>) dst(%dma_wait3A_47 : memref<640x16xf32, #tpu.memory_space<hbm>>)
      tpu.yield
    }) : () -> ()
    return
  }
}

#map = affine_map<(d0, d1) -> (0, 0, 0, 0)>
#map1 = affine_map<(d0, d1) -> (0, 0)>
#map2 = affine_map<(d0, d1) -> (0, 0, 0)>
module attributes {stable_mosaic.version = 14 : i64} {
  func.func @k(%arg0: i32, %arg1: i32, %arg2: memref<32x5x25x80xi32, #tpu.memory_space<hbm>>, %arg3: memref<32x5x25x80xi32, #tpu.memory_space<hbm>>, %arg4: memref<10000x128xf32, #tpu.memory_space<hbm>>, %arg5: memref<640x128xf32, #tpu.memory_space<hbm>>, %arg6: memref<2x10240x128xf32, #tpu.memory_space<hbm>>, %arg7: memref<25x80xi32, #tpu.memory_space<vmem>>, %arg8: memref<25x80xi32, #tpu.memory_space<vmem>>, %arg9: memref<80x128xf32, #tpu.memory_space<vmem>>, %arg10: memref<10240x128xf32, #tpu.memory_space<vmem_shared>>, %arg11: memref<!tpu.dma_semaphore, #tpu.memory_space<semaphore_mem>>) attributes {dimension_semantics = [#tpu.dimension_semantics<core_parallel>, #tpu.dimension_semantics<subcore_parallel>], iteration_bounds = array<i64: 2, 16>, scalar_prefetch = 0 : i64, scratch_operands = 5 : i64, tpu.core_type = #tpu.core_type<sc_vector_subcore>, window_params = [{transform_indices = #map}, {transform_indices = #map}, {transform_indices = #map1}, {transform_indices = #map1}, {transform_indices = #map2}]} {
    %mul3A = arith.constant 2 : i32
    %mul3A_0 = arith.muli %arg1, %mul3A : i32
    %add3A = arith.addi %mul3A_0, %arg0 : i32
    %mul3A_1 = arith.constant 640 : i32
    %mul3A_2 = arith.muli %arg1, %mul3A_1 : i32
    "tpu.region"() ({
      %run_scoped3A_46 = tpu.sem_alloc : memref<!tpu.dma_semaphore, #tpu.memory_space<semaphore_mem>>
      %dma_start3A = arith.constant 0 : i32
      %dma_start3A_47 = tpu.memref_slice %arg10[%mul3A_2, %dma_start3A] : memref<10240x128xf32, #tpu.memory_space<vmem_shared>> -> memref<640x128xf32, #tpu.memory_space<vmem_shared>>
      tpu.enqueue_dma source(%arg5 : memref<640x128xf32, #tpu.memory_space<hbm>>) target(%dma_start3A_47 : memref<640x128xf32, #tpu.memory_space<vmem_shared>>) target_semaphore(%run_scoped3A_46 : memref<!tpu.dma_semaphore, #tpu.memory_space<semaphore_mem>>)
      %dma_wait3A = arith.constant 0 : i32
      %dma_wait3A_48 = tpu.memref_slice %arg10[%mul3A_2, %dma_wait3A] : memref<10240x128xf32, #tpu.memory_space<vmem_shared>> -> memref<640x128xf32, #tpu.memory_space<vmem_shared>>
      tpu.wait_dma2 semaphore(%run_scoped3A_46 : memref<!tpu.dma_semaphore, #tpu.memory_space<semaphore_mem>>) src(%arg5 : memref<640x128xf32, #tpu.memory_space<hbm>>) dst(%dma_wait3A_48 : memref<640x128xf32, #tpu.memory_space<vmem_shared>>)
      tpu.yield
    }) : () -> ()
    %barrier3A = arith.constant 0 : index
    tpu.barrier barrier_id(%barrier3A)
    %run_scoped3A = arith.constant 0 : i32
    "tpu.region"() ({
      %run_scoped3A_46 = tpu.sem_alloc : memref<!tpu.dma_semaphore, #tpu.memory_space<semaphore_mem>>
      %dma_start3A = arith.constant 0 : i32
      %dma_start3A_47 = arith.constant 0 : i32
      %dma_start3A_48 = tpu.memref_slice %arg2[%add3A, %run_scoped3A, %dma_start3A, %dma_start3A_47] : memref<32x5x25x80xi32, #tpu.memory_space<hbm>> -> memref<1x1x25x80xi32, #tpu.memory_space<hbm>>
      %dma_start3A_49 = tpu.memref_squeeze %dma_start3A_48 : memref<1x1x25x80xi32, #tpu.memory_space<hbm>> -> memref<25x80xi32, #tpu.memory_space<hbm>>
      %dma_start3A_50 = arith.constant 0 : i32
      %dma_start3A_51 = arith.constant 0 : i32
      %dma_start3A_52 = tpu.memref_slice %arg2[%add3A, %run_scoped3A, %dma_start3A_50, %dma_start3A_51] : memref<32x5x25x80xi32, #tpu.memory_space<hbm>> -> memref<1x1x25x80xi32, #tpu.memory_space<hbm>>
      %dma_start3A_53 = tpu.memref_squeeze %dma_start3A_52 : memref<1x1x25x80xi32, #tpu.memory_space<hbm>> -> memref<25x80xi32, #tpu.memory_space<hbm>>
      tpu.enqueue_dma source(%dma_start3A_53 : memref<25x80xi32, #tpu.memory_space<hbm>>) target(%arg7 : memref<25x80xi32, #tpu.memory_space<vmem>>) target_semaphore(%run_scoped3A_46 : memref<!tpu.dma_semaphore, #tpu.memory_space<semaphore_mem>>)
      %dma_wait3A = arith.constant 0 : i32
      %dma_wait3A_54 = arith.constant 0 : i32
      %dma_wait3A_55 = tpu.memref_slice %arg2[%add3A, %run_scoped3A, %dma_wait3A, %dma_wait3A_54] : memref<32x5x25x80xi32, #tpu.memory_space<hbm>> -> memref<1x1x25x80xi32, #tpu.memory_space<hbm>>
      %dma_wait3A_56 = tpu.memref_squeeze %dma_wait3A_55 : memref<1x1x25x80xi32, #tpu.memory_space<hbm>> -> memref<25x80xi32, #tpu.memory_space<hbm>>
      %dma_wait3A_57 = arith.constant 0 : i32
      %dma_wait3A_58 = arith.constant 0 : i32
      %dma_wait3A_59 = tpu.memref_slice %arg2[%add3A, %run_scoped3A, %dma_wait3A_57, %dma_wait3A_58] : memref<32x5x25x80xi32, #tpu.memory_space<hbm>> -> memref<1x1x25x80xi32, #tpu.memory_space<hbm>>
      %dma_wait3A_60 = tpu.memref_squeeze %dma_wait3A_59 : memref<1x1x25x80xi32, #tpu.memory_space<hbm>> -> memref<25x80xi32, #tpu.memory_space<hbm>>
      tpu.wait_dma2 semaphore(%run_scoped3A_46 : memref<!tpu.dma_semaphore, #tpu.memory_space<semaphore_mem>>) src(%dma_wait3A_60 : memref<25x80xi32, #tpu.memory_space<hbm>>) dst(%arg7 : memref<25x80xi32, #tpu.memory_space<vmem>>)
      tpu.yield
    }) : () -> ()
    %run_scoped3A_3 = arith.constant 0 : i32
    "tpu.region"() ({
      %run_scoped3A_46 = tpu.sem_alloc : memref<!tpu.dma_semaphore, #tpu.memory_space<semaphore_mem>>
      %dma_start3A = arith.constant 0 : i32
      %dma_start3A_47 = arith.constant 0 : i32
      %dma_start3A_48 = tpu.memref_slice %arg3[%add3A, %run_scoped3A_3, %dma_start3A, %dma_start3A_47] : memref<32x5x25x80xi32, #tpu.memory_space<hbm>> -> memref<1x1x25x80xi32, #tpu.memory_space<hbm>>
      %dma_start3A_49 = tpu.memref_squeeze %dma_start3A_48 : memref<1x1x25x80xi32, #tpu.memory_space<hbm>> -> memref<25x80xi32, #tpu.memory_space<hbm>>
      %dma_start3A_50 = arith.constant 0 : i32
      %dma_start3A_51 = arith.constant 0 : i32
      %dma_start3A_52 = tpu.memref_slice %arg3[%add3A, %run_scoped3A_3, %dma_start3A_50, %dma_start3A_51] : memref<32x5x25x80xi32, #tpu.memory_space<hbm>> -> memref<1x1x25x80xi32, #tpu.memory_space<hbm>>
      %dma_start3A_53 = tpu.memref_squeeze %dma_start3A_52 : memref<1x1x25x80xi32, #tpu.memory_space<hbm>> -> memref<25x80xi32, #tpu.memory_space<hbm>>
      tpu.enqueue_dma source(%dma_start3A_53 : memref<25x80xi32, #tpu.memory_space<hbm>>) target(%arg8 : memref<25x80xi32, #tpu.memory_space<vmem>>) target_semaphore(%run_scoped3A_46 : memref<!tpu.dma_semaphore, #tpu.memory_space<semaphore_mem>>)
      %dma_wait3A = arith.constant 0 : i32
      %dma_wait3A_54 = arith.constant 0 : i32
      %dma_wait3A_55 = tpu.memref_slice %arg3[%add3A, %run_scoped3A_3, %dma_wait3A, %dma_wait3A_54] : memref<32x5x25x80xi32, #tpu.memory_space<hbm>> -> memref<1x1x25x80xi32, #tpu.memory_space<hbm>>
      %dma_wait3A_56 = tpu.memref_squeeze %dma_wait3A_55 : memref<1x1x25x80xi32, #tpu.memory_space<hbm>> -> memref<25x80xi32, #tpu.memory_space<hbm>>
      %dma_wait3A_57 = arith.constant 0 : i32
      %dma_wait3A_58 = arith.constant 0 : i32
      %dma_wait3A_59 = tpu.memref_slice %arg3[%add3A, %run_scoped3A_3, %dma_wait3A_57, %dma_wait3A_58] : memref<32x5x25x80xi32, #tpu.memory_space<hbm>> -> memref<1x1x25x80xi32, #tpu.memory_space<hbm>>
      %dma_wait3A_60 = tpu.memref_squeeze %dma_wait3A_59 : memref<1x1x25x80xi32, #tpu.memory_space<hbm>> -> memref<25x80xi32, #tpu.memory_space<hbm>>
      tpu.wait_dma2 semaphore(%run_scoped3A_46 : memref<!tpu.dma_semaphore, #tpu.memory_space<semaphore_mem>>) src(%dma_wait3A_60 : memref<25x80xi32, #tpu.memory_space<hbm>>) dst(%arg8 : memref<25x80xi32, #tpu.memory_space<vmem>>)
      tpu.yield
    }) : () -> ()
    %scan3A = arith.constant 0 : i32
    %scan3A_4 = arith.constant 0 : i32
    %scan3A_5 = arith.constant 25 : i32
    %scan3A_6 = arith.addi %scan3A_4, %scan3A_5 : i32
    %scan3A_7 = arith.constant 1 : i32
    scf.for %scan3A_46 = %scan3A_4 to %scan3A_6 step %scan3A_7  : i32 {
      %dma_start3A = arith.constant 0 : i32
      %dma_start3A_47 = tpu.memref_slice %arg7[%scan3A_46, %dma_start3A] : memref<25x80xi32, #tpu.memory_space<vmem>> -> memref<1x80xi32, #tpu.memory_space<vmem>>
      %dma_start3A_48 = tpu.memref_squeeze %dma_start3A_47 : memref<1x80xi32, #tpu.memory_space<vmem>> -> memref<80xi32, #tpu.memory_space<vmem>>
      %dma_start3A_49 = arith.constant 0 : i32
      %dma_start3A_50 = arith.constant 0 : i32
      %dma_start3A_51 = tpu.memref_slice %arg4[%dma_start3A_49, %dma_start3A_50] : memref<10000x128xf32, #tpu.memory_space<hbm>> -> memref<10000x128xf32, #tpu.memory_space<hbm>>
      tpu.enqueue_indirect_dma source(%dma_start3A_51 : memref<10000x128xf32, #tpu.memory_space<hbm>>) target(%arg9 : memref<80x128xf32, #tpu.memory_space<vmem>>) offsets(%dma_start3A_48 : memref<80xi32, #tpu.memory_space<vmem>>) semaphore(%arg11 : memref<!tpu.dma_semaphore, #tpu.memory_space<semaphore_mem>>)
      %dma_wait3A = arith.constant 0 : i32
      %dma_wait3A_52 = tpu.memref_slice %arg7[%scan3A_46, %dma_wait3A] : memref<25x80xi32, #tpu.memory_space<vmem>> -> memref<1x80xi32, #tpu.memory_space<vmem>>
      %dma_wait3A_53 = tpu.memref_squeeze %dma_wait3A_52 : memref<1x80xi32, #tpu.memory_space<vmem>> -> memref<80xi32, #tpu.memory_space<vmem>>
      %dma_wait3A_54 = arith.constant 0 : i32
      %dma_wait3A_55 = arith.constant 0 : i32
      %dma_wait3A_56 = tpu.memref_slice %arg4[%dma_wait3A_54, %dma_wait3A_55] : memref<10000x128xf32, #tpu.memory_space<hbm>> -> memref<10000x128xf32, #tpu.memory_space<hbm>>
      tpu.wait_indirect_dma semaphore(%arg11 : memref<!tpu.dma_semaphore, #tpu.memory_space<semaphore_mem>>) src(%dma_wait3A_56 : memref<10000x128xf32, #tpu.memory_space<hbm>>) dst(%arg9 : memref<80x128xf32, #tpu.memory_space<vmem>>)
      "tpu.region"() ({
        %run_scoped3A_57 = tpu.sem_alloc : memref<!tpu.dma_semaphore, #tpu.memory_space<semaphore_mem>>
        %dma_start3A_58 = arith.constant 0 : i32
        %dma_start3A_59 = tpu.memref_slice %arg8[%scan3A_46, %dma_start3A_58] : memref<25x80xi32, #tpu.memory_space<vmem>> -> memref<1x80xi32, #tpu.memory_space<vmem>>
        %dma_start3A_60 = tpu.memref_squeeze %dma_start3A_59 : memref<1x80xi32, #tpu.memory_space<vmem>> -> memref<80xi32, #tpu.memory_space<vmem>>
        %dma_start3A_61 = arith.constant 0 : i32
        %dma_start3A_62 = arith.constant 0 : i32
        %dma_start3A_63 = tpu.memref_slice %arg10[%dma_start3A_61, %dma_start3A_62] : memref<10240x128xf32, #tpu.memory_space<vmem_shared>> -> memref<10240x128xf32, #tpu.memory_space<vmem_shared>>
        tpu.enqueue_indirect_dma source(%arg9 : memref<80x128xf32, #tpu.memory_space<vmem>>) target(%dma_start3A_63 : memref<10240x128xf32, #tpu.memory_space<vmem_shared>>) offsets(%dma_start3A_60 : memref<80xi32, #tpu.memory_space<vmem>>) semaphore(%run_scoped3A_57 : memref<!tpu.dma_semaphore, #tpu.memory_space<semaphore_mem>>) {add = true}
        %dma_wait3A_64 = arith.constant 0 : i32
        %dma_wait3A_65 = tpu.memref_slice %arg8[%scan3A_46, %dma_wait3A_64] : memref<25x80xi32, #tpu.memory_space<vmem>> -> memref<1x80xi32, #tpu.memory_space<vmem>>
        %dma_wait3A_66 = tpu.memref_squeeze %dma_wait3A_65 : memref<1x80xi32, #tpu.memory_space<vmem>> -> memref<80xi32, #tpu.memory_space<vmem>>
        %dma_wait3A_67 = arith.constant 0 : i32
        %dma_wait3A_68 = arith.constant 0 : i32
        %dma_wait3A_69 = tpu.memref_slice %arg10[%dma_wait3A_67, %dma_wait3A_68] : memref<10240x128xf32, #tpu.memory_space<vmem_shared>> -> memref<10240x128xf32, #tpu.memory_space<vmem_shared>>
        tpu.wait_indirect_dma semaphore(%run_scoped3A_57 : memref<!tpu.dma_semaphore, #tpu.memory_space<semaphore_mem>>) src(%arg9 : memref<80x128xf32, #tpu.memory_space<vmem>>) dst(%dma_wait3A_69 : memref<10240x128xf32, #tpu.memory_space<vmem_shared>>)
        tpu.yield
      }) : () -> ()
    }
    %scan3A_8 = arith.constant 25 : i32
    %run_scoped3A_9 = arith.constant 1 : i32
    "tpu.region"() ({
      %run_scoped3A_46 = tpu.sem_alloc : memref<!tpu.dma_semaphore, #tpu.memory_space<semaphore_mem>>
      %dma_start3A = arith.constant 0 : i32
      %dma_start3A_47 = arith.constant 0 : i32
      %dma_start3A_48 = tpu.memref_slice %arg2[%add3A, %run_scoped3A_9, %dma_start3A, %dma_start3A_47] : memref<32x5x25x80xi32, #tpu.memory_space<hbm>> -> memref<1x1x25x80xi32, #tpu.memory_space<hbm>>
      %dma_start3A_49 = tpu.memref_squeeze %dma_start3A_48 : memref<1x1x25x80xi32, #tpu.memory_space<hbm>> -> memref<25x80xi32, #tpu.memory_space<hbm>>
      %dma_start3A_50 = arith.constant 0 : i32
      %dma_start3A_51 = arith.constant 0 : i32
      %dma_start3A_52 = tpu.memref_slice %arg2[%add3A, %run_scoped3A_9, %dma_start3A_50, %dma_start3A_51] : memref<32x5x25x80xi32, #tpu.memory_space<hbm>> -> memref<1x1x25x80xi32, #tpu.memory_space<hbm>>
      %dma_start3A_53 = tpu.memref_squeeze %dma_start3A_52 : memref<1x1x25x80xi32, #tpu.memory_space<hbm>> -> memref<25x80xi32, #tpu.memory_space<hbm>>
      tpu.enqueue_dma source(%dma_start3A_53 : memref<25x80xi32, #tpu.memory_space<hbm>>) target(%arg7 : memref<25x80xi32, #tpu.memory_space<vmem>>) target_semaphore(%run_scoped3A_46 : memref<!tpu.dma_semaphore, #tpu.memory_space<semaphore_mem>>)
      %dma_wait3A = arith.constant 0 : i32
      %dma_wait3A_54 = arith.constant 0 : i32
      %dma_wait3A_55 = tpu.memref_slice %arg2[%add3A, %run_scoped3A_9, %dma_wait3A, %dma_wait3A_54] : memref<32x5x25x80xi32, #tpu.memory_space<hbm>> -> memref<1x1x25x80xi32, #tpu.memory_space<hbm>>
      %dma_wait3A_56 = tpu.memref_squeeze %dma_wait3A_55 : memref<1x1x25x80xi32, #tpu.memory_space<hbm>> -> memref<25x80xi32, #tpu.memory_space<hbm>>
      %dma_wait3A_57 = arith.constant 0 : i32
      %dma_wait3A_58 = arith.constant 0 : i32
      %dma_wait3A_59 = tpu.memref_slice %arg2[%add3A, %run_scoped3A_9, %dma_wait3A_57, %dma_wait3A_58] : memref<32x5x25x80xi32, #tpu.memory_space<hbm>> -> memref<1x1x25x80xi32, #tpu.memory_space<hbm>>
      %dma_wait3A_60 = tpu.memref_squeeze %dma_wait3A_59 : memref<1x1x25x80xi32, #tpu.memory_space<hbm>> -> memref<25x80xi32, #tpu.memory_space<hbm>>
      tpu.wait_dma2 semaphore(%run_scoped3A_46 : memref<!tpu.dma_semaphore, #tpu.memory_space<semaphore_mem>>) src(%dma_wait3A_60 : memref<25x80xi32, #tpu.memory_space<hbm>>) dst(%arg7 : memref<25x80xi32, #tpu.memory_space<vmem>>)
      tpu.yield
    }) : () -> ()
    %run_scoped3A_10 = arith.constant 1 : i32
    "tpu.region"() ({
      %run_scoped3A_46 = tpu.sem_alloc : memref<!tpu.dma_semaphore, #tpu.memory_space<semaphore_mem>>
      %dma_start3A = arith.constant 0 : i32
      %dma_start3A_47 = arith.constant 0 : i32
      %dma_start3A_48 = tpu.memref_slice %arg3[%add3A, %run_scoped3A_10, %dma_start3A, %dma_start3A_47] : memref<32x5x25x80xi32, #tpu.memory_space<hbm>> -> memref<1x1x25x80xi32, #tpu.memory_space<hbm>>
      %dma_start3A_49 = tpu.memref_squeeze %dma_start3A_48 : memref<1x1x25x80xi32, #tpu.memory_space<hbm>> -> memref<25x80xi32, #tpu.memory_space<hbm>>
      %dma_start3A_50 = arith.constant 0 : i32
      %dma_start3A_51 = arith.constant 0 : i32
      %dma_start3A_52 = tpu.memref_slice %arg3[%add3A, %run_scoped3A_10, %dma_start3A_50, %dma_start3A_51] : memref<32x5x25x80xi32, #tpu.memory_space<hbm>> -> memref<1x1x25x80xi32, #tpu.memory_space<hbm>>
      %dma_start3A_53 = tpu.memref_squeeze %dma_start3A_52 : memref<1x1x25x80xi32, #tpu.memory_space<hbm>> -> memref<25x80xi32, #tpu.memory_space<hbm>>
      tpu.enqueue_dma source(%dma_start3A_53 : memref<25x80xi32, #tpu.memory_space<hbm>>) target(%arg8 : memref<25x80xi32, #tpu.memory_space<vmem>>) target_semaphore(%run_scoped3A_46 : memref<!tpu.dma_semaphore, #tpu.memory_space<semaphore_mem>>)
      %dma_wait3A = arith.constant 0 : i32
      %dma_wait3A_54 = arith.constant 0 : i32
      %dma_wait3A_55 = tpu.memref_slice %arg3[%add3A, %run_scoped3A_10, %dma_wait3A, %dma_wait3A_54] : memref<32x5x25x80xi32, #tpu.memory_space<hbm>> -> memref<1x1x25x80xi32, #tpu.memory_space<hbm>>
      %dma_wait3A_56 = tpu.memref_squeeze %dma_wait3A_55 : memref<1x1x25x80xi32, #tpu.memory_space<hbm>> -> memref<25x80xi32, #tpu.memory_space<hbm>>
      %dma_wait3A_57 = arith.constant 0 : i32
      %dma_wait3A_58 = arith.constant 0 : i32
      %dma_wait3A_59 = tpu.memref_slice %arg3[%add3A, %run_scoped3A_10, %dma_wait3A_57, %dma_wait3A_58] : memref<32x5x25x80xi32, #tpu.memory_space<hbm>> -> memref<1x1x25x80xi32, #tpu.memory_space<hbm>>
      %dma_wait3A_60 = tpu.memref_squeeze %dma_wait3A_59 : memref<1x1x25x80xi32, #tpu.memory_space<hbm>> -> memref<25x80xi32, #tpu.memory_space<hbm>>
      tpu.wait_dma2 semaphore(%run_scoped3A_46 : memref<!tpu.dma_semaphore, #tpu.memory_space<semaphore_mem>>) src(%dma_wait3A_60 : memref<25x80xi32, #tpu.memory_space<hbm>>) dst(%arg8 : memref<25x80xi32, #tpu.memory_space<vmem>>)
      tpu.yield
    }) : () -> ()
    %scan3A_11 = arith.constant 0 : i32
    %scan3A_12 = arith.constant 0 : i32
    %scan3A_13 = arith.constant 25 : i32
    %scan3A_14 = arith.addi %scan3A_12, %scan3A_13 : i32
    %scan3A_15 = arith.constant 1 : i32
    scf.for %scan3A_46 = %scan3A_12 to %scan3A_14 step %scan3A_15  : i32 {
      %dma_start3A = arith.constant 0 : i32
      %dma_start3A_47 = tpu.memref_slice %arg7[%scan3A_46, %dma_start3A] : memref<25x80xi32, #tpu.memory_space<vmem>> -> memref<1x80xi32, #tpu.memory_space<vmem>>
      %dma_start3A_48 = tpu.memref_squeeze %dma_start3A_47 : memref<1x80xi32, #tpu.memory_space<vmem>> -> memref<80xi32, #tpu.memory_space<vmem>>
      %dma_start3A_49 = arith.constant 0 : i32
      %dma_start3A_50 = arith.constant 0 : i32
      %dma_start3A_51 = tpu.memref_slice %arg4[%dma_start3A_49, %dma_start3A_50] : memref<10000x128xf32, #tpu.memory_space<hbm>> -> memref<10000x128xf32, #tpu.memory_space<hbm>>
      tpu.enqueue_indirect_dma source(%dma_start3A_51 : memref<10000x128xf32, #tpu.memory_space<hbm>>) target(%arg9 : memref<80x128xf32, #tpu.memory_space<vmem>>) offsets(%dma_start3A_48 : memref<80xi32, #tpu.memory_space<vmem>>) semaphore(%arg11 : memref<!tpu.dma_semaphore, #tpu.memory_space<semaphore_mem>>)
      %dma_wait3A = arith.constant 0 : i32
      %dma_wait3A_52 = tpu.memref_slice %arg7[%scan3A_46, %dma_wait3A] : memref<25x80xi32, #tpu.memory_space<vmem>> -> memref<1x80xi32, #tpu.memory_space<vmem>>
      %dma_wait3A_53 = tpu.memref_squeeze %dma_wait3A_52 : memref<1x80xi32, #tpu.memory_space<vmem>> -> memref<80xi32, #tpu.memory_space<vmem>>
      %dma_wait3A_54 = arith.constant 0 : i32
      %dma_wait3A_55 = arith.constant 0 : i32
      %dma_wait3A_56 = tpu.memref_slice %arg4[%dma_wait3A_54, %dma_wait3A_55] : memref<10000x128xf32, #tpu.memory_space<hbm>> -> memref<10000x128xf32, #tpu.memory_space<hbm>>
      tpu.wait_indirect_dma semaphore(%arg11 : memref<!tpu.dma_semaphore, #tpu.memory_space<semaphore_mem>>) src(%dma_wait3A_56 : memref<10000x128xf32, #tpu.memory_space<hbm>>) dst(%arg9 : memref<80x128xf32, #tpu.memory_space<vmem>>)
      "tpu.region"() ({
        %run_scoped3A_57 = tpu.sem_alloc : memref<!tpu.dma_semaphore, #tpu.memory_space<semaphore_mem>>
        %dma_start3A_58 = arith.constant 0 : i32
        %dma_start3A_59 = tpu.memref_slice %arg8[%scan3A_46, %dma_start3A_58] : memref<25x80xi32, #tpu.memory_space<vmem>> -> memref<1x80xi32, #tpu.memory_space<vmem>>
        %dma_start3A_60 = tpu.memref_squeeze %dma_start3A_59 : memref<1x80xi32, #tpu.memory_space<vmem>> -> memref<80xi32, #tpu.memory_space<vmem>>
        %dma_start3A_61 = arith.constant 0 : i32
        %dma_start3A_62 = arith.constant 0 : i32
        %dma_start3A_63 = tpu.memref_slice %arg10[%dma_start3A_61, %dma_start3A_62] : memref<10240x128xf32, #tpu.memory_space<vmem_shared>> -> memref<10240x128xf32, #tpu.memory_space<vmem_shared>>
        tpu.enqueue_indirect_dma source(%arg9 : memref<80x128xf32, #tpu.memory_space<vmem>>) target(%dma_start3A_63 : memref<10240x128xf32, #tpu.memory_space<vmem_shared>>) offsets(%dma_start3A_60 : memref<80xi32, #tpu.memory_space<vmem>>) semaphore(%run_scoped3A_57 : memref<!tpu.dma_semaphore, #tpu.memory_space<semaphore_mem>>) {add = true}
        %dma_wait3A_64 = arith.constant 0 : i32
        %dma_wait3A_65 = tpu.memref_slice %arg8[%scan3A_46, %dma_wait3A_64] : memref<25x80xi32, #tpu.memory_space<vmem>> -> memref<1x80xi32, #tpu.memory_space<vmem>>
        %dma_wait3A_66 = tpu.memref_squeeze %dma_wait3A_65 : memref<1x80xi32, #tpu.memory_space<vmem>> -> memref<80xi32, #tpu.memory_space<vmem>>
        %dma_wait3A_67 = arith.constant 0 : i32
        %dma_wait3A_68 = arith.constant 0 : i32
        %dma_wait3A_69 = tpu.memref_slice %arg10[%dma_wait3A_67, %dma_wait3A_68] : memref<10240x128xf32, #tpu.memory_space<vmem_shared>> -> memref<10240x128xf32, #tpu.memory_space<vmem_shared>>
        tpu.wait_indirect_dma semaphore(%run_scoped3A_57 : memref<!tpu.dma_semaphore, #tpu.memory_space<semaphore_mem>>) src(%arg9 : memref<80x128xf32, #tpu.memory_space<vmem>>) dst(%dma_wait3A_69 : memref<10240x128xf32, #tpu.memory_space<vmem_shared>>)
        tpu.yield
      }) : () -> ()
    }
    %scan3A_16 = arith.constant 25 : i32
    %run_scoped3A_17 = arith.constant 2 : i32
    "tpu.region"() ({
      %run_scoped3A_46 = tpu.sem_alloc : memref<!tpu.dma_semaphore, #tpu.memory_space<semaphore_mem>>
      %dma_start3A = arith.constant 0 : i32
      %dma_start3A_47 = arith.constant 0 : i32
      %dma_start3A_48 = tpu.memref_slice %arg2[%add3A, %run_scoped3A_17, %dma_start3A, %dma_start3A_47] : memref<32x5x25x80xi32, #tpu.memory_space<hbm>> -> memref<1x1x25x80xi32, #tpu.memory_space<hbm>>
      %dma_start3A_49 = tpu.memref_squeeze %dma_start3A_48 : memref<1x1x25x80xi32, #tpu.memory_space<hbm>> -> memref<25x80xi32, #tpu.memory_space<hbm>>
      %dma_start3A_50 = arith.constant 0 : i32
      %dma_start3A_51 = arith.constant 0 : i32
      %dma_start3A_52 = tpu.memref_slice %arg2[%add3A, %run_scoped3A_17, %dma_start3A_50, %dma_start3A_51] : memref<32x5x25x80xi32, #tpu.memory_space<hbm>> -> memref<1x1x25x80xi32, #tpu.memory_space<hbm>>
      %dma_start3A_53 = tpu.memref_squeeze %dma_start3A_52 : memref<1x1x25x80xi32, #tpu.memory_space<hbm>> -> memref<25x80xi32, #tpu.memory_space<hbm>>
      tpu.enqueue_dma source(%dma_start3A_53 : memref<25x80xi32, #tpu.memory_space<hbm>>) target(%arg7 : memref<25x80xi32, #tpu.memory_space<vmem>>) target_semaphore(%run_scoped3A_46 : memref<!tpu.dma_semaphore, #tpu.memory_space<semaphore_mem>>)
      %dma_wait3A = arith.constant 0 : i32
      %dma_wait3A_54 = arith.constant 0 : i32
      %dma_wait3A_55 = tpu.memref_slice %arg2[%add3A, %run_scoped3A_17, %dma_wait3A, %dma_wait3A_54] : memref<32x5x25x80xi32, #tpu.memory_space<hbm>> -> memref<1x1x25x80xi32, #tpu.memory_space<hbm>>
      %dma_wait3A_56 = tpu.memref_squeeze %dma_wait3A_55 : memref<1x1x25x80xi32, #tpu.memory_space<hbm>> -> memref<25x80xi32, #tpu.memory_space<hbm>>
      %dma_wait3A_57 = arith.constant 0 : i32
      %dma_wait3A_58 = arith.constant 0 : i32
      %dma_wait3A_59 = tpu.memref_slice %arg2[%add3A, %run_scoped3A_17, %dma_wait3A_57, %dma_wait3A_58] : memref<32x5x25x80xi32, #tpu.memory_space<hbm>> -> memref<1x1x25x80xi32, #tpu.memory_space<hbm>>
      %dma_wait3A_60 = tpu.memref_squeeze %dma_wait3A_59 : memref<1x1x25x80xi32, #tpu.memory_space<hbm>> -> memref<25x80xi32, #tpu.memory_space<hbm>>
      tpu.wait_dma2 semaphore(%run_scoped3A_46 : memref<!tpu.dma_semaphore, #tpu.memory_space<semaphore_mem>>) src(%dma_wait3A_60 : memref<25x80xi32, #tpu.memory_space<hbm>>) dst(%arg7 : memref<25x80xi32, #tpu.memory_space<vmem>>)
      tpu.yield
    }) : () -> ()
    %run_scoped3A_18 = arith.constant 2 : i32
    "tpu.region"() ({
      %run_scoped3A_46 = tpu.sem_alloc : memref<!tpu.dma_semaphore, #tpu.memory_space<semaphore_mem>>
      %dma_start3A = arith.constant 0 : i32
      %dma_start3A_47 = arith.constant 0 : i32
      %dma_start3A_48 = tpu.memref_slice %arg3[%add3A, %run_scoped3A_18, %dma_start3A, %dma_start3A_47] : memref<32x5x25x80xi32, #tpu.memory_space<hbm>> -> memref<1x1x25x80xi32, #tpu.memory_space<hbm>>
      %dma_start3A_49 = tpu.memref_squeeze %dma_start3A_48 : memref<1x1x25x80xi32, #tpu.memory_space<hbm>> -> memref<25x80xi32, #tpu.memory_space<hbm>>
      %dma_start3A_50 = arith.constant 0 : i32
      %dma_start3A_51 = arith.constant 0 : i32
      %dma_start3A_52 = tpu.memref_slice %arg3[%add3A, %run_scoped3A_18, %dma_start3A_50, %dma_start3A_51] : memref<32x5x25x80xi32, #tpu.memory_space<hbm>> -> memref<1x1x25x80xi32, #tpu.memory_space<hbm>>
      %dma_start3A_53 = tpu.memref_squeeze %dma_start3A_52 : memref<1x1x25x80xi32, #tpu.memory_space<hbm>> -> memref<25x80xi32, #tpu.memory_space<hbm>>
      tpu.enqueue_dma source(%dma_start3A_53 : memref<25x80xi32, #tpu.memory_space<hbm>>) target(%arg8 : memref<25x80xi32, #tpu.memory_space<vmem>>) target_semaphore(%run_scoped3A_46 : memref<!tpu.dma_semaphore, #tpu.memory_space<semaphore_mem>>)
      %dma_wait3A = arith.constant 0 : i32
      %dma_wait3A_54 = arith.constant 0 : i32
      %dma_wait3A_55 = tpu.memref_slice %arg3[%add3A, %run_scoped3A_18, %dma_wait3A, %dma_wait3A_54] : memref<32x5x25x80xi32, #tpu.memory_space<hbm>> -> memref<1x1x25x80xi32, #tpu.memory_space<hbm>>
      %dma_wait3A_56 = tpu.memref_squeeze %dma_wait3A_55 : memref<1x1x25x80xi32, #tpu.memory_space<hbm>> -> memref<25x80xi32, #tpu.memory_space<hbm>>
      %dma_wait3A_57 = arith.constant 0 : i32
      %dma_wait3A_58 = arith.constant 0 : i32
      %dma_wait3A_59 = tpu.memref_slice %arg3[%add3A, %run_scoped3A_18, %dma_wait3A_57, %dma_wait3A_58] : memref<32x5x25x80xi32, #tpu.memory_space<hbm>> -> memref<1x1x25x80xi32, #tpu.memory_space<hbm>>
      %dma_wait3A_60 = tpu.memref_squeeze %dma_wait3A_59 : memref<1x1x25x80xi32, #tpu.memory_space<hbm>> -> memref<25x80xi32, #tpu.memory_space<hbm>>
      tpu.wait_dma2 semaphore(%run_scoped3A_46 : memref<!tpu.dma_semaphore, #tpu.memory_space<semaphore_mem>>) src(%dma_wait3A_60 : memref<25x80xi32, #tpu.memory_space<hbm>>) dst(%arg8 : memref<25x80xi32, #tpu.memory_space<vmem>>)
      tpu.yield
    }) : () -> ()
    %scan3A_19 = arith.constant 0 : i32
    %scan3A_20 = arith.constant 0 : i32
    %scan3A_21 = arith.constant 25 : i32
    %scan3A_22 = arith.addi %scan3A_20, %scan3A_21 : i32
    %scan3A_23 = arith.constant 1 : i32
    scf.for %scan3A_46 = %scan3A_20 to %scan3A_22 step %scan3A_23  : i32 {
      %dma_start3A = arith.constant 0 : i32
      %dma_start3A_47 = tpu.memref_slice %arg7[%scan3A_46, %dma_start3A] : memref<25x80xi32, #tpu.memory_space<vmem>> -> memref<1x80xi32, #tpu.memory_space<vmem>>
      %dma_start3A_48 = tpu.memref_squeeze %dma_start3A_47 : memref<1x80xi32, #tpu.memory_space<vmem>> -> memref<80xi32, #tpu.memory_space<vmem>>
      %dma_start3A_49 = arith.constant 0 : i32
      %dma_start3A_50 = arith.constant 0 : i32
      %dma_start3A_51 = tpu.memref_slice %arg4[%dma_start3A_49, %dma_start3A_50] : memref<10000x128xf32, #tpu.memory_space<hbm>> -> memref<10000x128xf32, #tpu.memory_space<hbm>>
      tpu.enqueue_indirect_dma source(%dma_start3A_51 : memref<10000x128xf32, #tpu.memory_space<hbm>>) target(%arg9 : memref<80x128xf32, #tpu.memory_space<vmem>>) offsets(%dma_start3A_48 : memref<80xi32, #tpu.memory_space<vmem>>) semaphore(%arg11 : memref<!tpu.dma_semaphore, #tpu.memory_space<semaphore_mem>>)
      %dma_wait3A = arith.constant 0 : i32
      %dma_wait3A_52 = tpu.memref_slice %arg7[%scan3A_46, %dma_wait3A] : memref<25x80xi32, #tpu.memory_space<vmem>> -> memref<1x80xi32, #tpu.memory_space<vmem>>
      %dma_wait3A_53 = tpu.memref_squeeze %dma_wait3A_52 : memref<1x80xi32, #tpu.memory_space<vmem>> -> memref<80xi32, #tpu.memory_space<vmem>>
      %dma_wait3A_54 = arith.constant 0 : i32
      %dma_wait3A_55 = arith.constant 0 : i32
      %dma_wait3A_56 = tpu.memref_slice %arg4[%dma_wait3A_54, %dma_wait3A_55] : memref<10000x128xf32, #tpu.memory_space<hbm>> -> memref<10000x128xf32, #tpu.memory_space<hbm>>
      tpu.wait_indirect_dma semaphore(%arg11 : memref<!tpu.dma_semaphore, #tpu.memory_space<semaphore_mem>>) src(%dma_wait3A_56 : memref<10000x128xf32, #tpu.memory_space<hbm>>) dst(%arg9 : memref<80x128xf32, #tpu.memory_space<vmem>>)
      "tpu.region"() ({
        %run_scoped3A_57 = tpu.sem_alloc : memref<!tpu.dma_semaphore, #tpu.memory_space<semaphore_mem>>
        %dma_start3A_58 = arith.constant 0 : i32
        %dma_start3A_59 = tpu.memref_slice %arg8[%scan3A_46, %dma_start3A_58] : memref<25x80xi32, #tpu.memory_space<vmem>> -> memref<1x80xi32, #tpu.memory_space<vmem>>
        %dma_start3A_60 = tpu.memref_squeeze %dma_start3A_59 : memref<1x80xi32, #tpu.memory_space<vmem>> -> memref<80xi32, #tpu.memory_space<vmem>>
        %dma_start3A_61 = arith.constant 0 : i32
        %dma_start3A_62 = arith.constant 0 : i32
        %dma_start3A_63 = tpu.memref_slice %arg10[%dma_start3A_61, %dma_start3A_62] : memref<10240x128xf32, #tpu.memory_space<vmem_shared>> -> memref<10240x128xf32, #tpu.memory_space<vmem_shared>>
        tpu.enqueue_indirect_dma source(%arg9 : memref<80x128xf32, #tpu.memory_space<vmem>>) target(%dma_start3A_63 : memref<10240x128xf32, #tpu.memory_space<vmem_shared>>) offsets(%dma_start3A_60 : memref<80xi32, #tpu.memory_space<vmem>>) semaphore(%run_scoped3A_57 : memref<!tpu.dma_semaphore, #tpu.memory_space<semaphore_mem>>) {add = true}
        %dma_wait3A_64 = arith.constant 0 : i32
        %dma_wait3A_65 = tpu.memref_slice %arg8[%scan3A_46, %dma_wait3A_64] : memref<25x80xi32, #tpu.memory_space<vmem>> -> memref<1x80xi32, #tpu.memory_space<vmem>>
        %dma_wait3A_66 = tpu.memref_squeeze %dma_wait3A_65 : memref<1x80xi32, #tpu.memory_space<vmem>> -> memref<80xi32, #tpu.memory_space<vmem>>
        %dma_wait3A_67 = arith.constant 0 : i32
        %dma_wait3A_68 = arith.constant 0 : i32
        %dma_wait3A_69 = tpu.memref_slice %arg10[%dma_wait3A_67, %dma_wait3A_68] : memref<10240x128xf32, #tpu.memory_space<vmem_shared>> -> memref<10240x128xf32, #tpu.memory_space<vmem_shared>>
        tpu.wait_indirect_dma semaphore(%run_scoped3A_57 : memref<!tpu.dma_semaphore, #tpu.memory_space<semaphore_mem>>) src(%arg9 : memref<80x128xf32, #tpu.memory_space<vmem>>) dst(%dma_wait3A_69 : memref<10240x128xf32, #tpu.memory_space<vmem_shared>>)
        tpu.yield
      }) : () -> ()
    }
    %scan3A_24 = arith.constant 25 : i32
    %run_scoped3A_25 = arith.constant 3 : i32
    "tpu.region"() ({
      %run_scoped3A_46 = tpu.sem_alloc : memref<!tpu.dma_semaphore, #tpu.memory_space<semaphore_mem>>
      %dma_start3A = arith.constant 0 : i32
      %dma_start3A_47 = arith.constant 0 : i32
      %dma_start3A_48 = tpu.memref_slice %arg2[%add3A, %run_scoped3A_25, %dma_start3A, %dma_start3A_47] : memref<32x5x25x80xi32, #tpu.memory_space<hbm>> -> memref<1x1x25x80xi32, #tpu.memory_space<hbm>>
      %dma_start3A_49 = tpu.memref_squeeze %dma_start3A_48 : memref<1x1x25x80xi32, #tpu.memory_space<hbm>> -> memref<25x80xi32, #tpu.memory_space<hbm>>
      %dma_start3A_50 = arith.constant 0 : i32
      %dma_start3A_51 = arith.constant 0 : i32
      %dma_start3A_52 = tpu.memref_slice %arg2[%add3A, %run_scoped3A_25, %dma_start3A_50, %dma_start3A_51] : memref<32x5x25x80xi32, #tpu.memory_space<hbm>> -> memref<1x1x25x80xi32, #tpu.memory_space<hbm>>
      %dma_start3A_53 = tpu.memref_squeeze %dma_start3A_52 : memref<1x1x25x80xi32, #tpu.memory_space<hbm>> -> memref<25x80xi32, #tpu.memory_space<hbm>>
      tpu.enqueue_dma source(%dma_start3A_53 : memref<25x80xi32, #tpu.memory_space<hbm>>) target(%arg7 : memref<25x80xi32, #tpu.memory_space<vmem>>) target_semaphore(%run_scoped3A_46 : memref<!tpu.dma_semaphore, #tpu.memory_space<semaphore_mem>>)
      %dma_wait3A = arith.constant 0 : i32
      %dma_wait3A_54 = arith.constant 0 : i32
      %dma_wait3A_55 = tpu.memref_slice %arg2[%add3A, %run_scoped3A_25, %dma_wait3A, %dma_wait3A_54] : memref<32x5x25x80xi32, #tpu.memory_space<hbm>> -> memref<1x1x25x80xi32, #tpu.memory_space<hbm>>
      %dma_wait3A_56 = tpu.memref_squeeze %dma_wait3A_55 : memref<1x1x25x80xi32, #tpu.memory_space<hbm>> -> memref<25x80xi32, #tpu.memory_space<hbm>>
      %dma_wait3A_57 = arith.constant 0 : i32
      %dma_wait3A_58 = arith.constant 0 : i32
      %dma_wait3A_59 = tpu.memref_slice %arg2[%add3A, %run_scoped3A_25, %dma_wait3A_57, %dma_wait3A_58] : memref<32x5x25x80xi32, #tpu.memory_space<hbm>> -> memref<1x1x25x80xi32, #tpu.memory_space<hbm>>
      %dma_wait3A_60 = tpu.memref_squeeze %dma_wait3A_59 : memref<1x1x25x80xi32, #tpu.memory_space<hbm>> -> memref<25x80xi32, #tpu.memory_space<hbm>>
      tpu.wait_dma2 semaphore(%run_scoped3A_46 : memref<!tpu.dma_semaphore, #tpu.memory_space<semaphore_mem>>) src(%dma_wait3A_60 : memref<25x80xi32, #tpu.memory_space<hbm>>) dst(%arg7 : memref<25x80xi32, #tpu.memory_space<vmem>>)
      tpu.yield
    }) : () -> ()
    %run_scoped3A_26 = arith.constant 3 : i32
    "tpu.region"() ({
      %run_scoped3A_46 = tpu.sem_alloc : memref<!tpu.dma_semaphore, #tpu.memory_space<semaphore_mem>>
      %dma_start3A = arith.constant 0 : i32
      %dma_start3A_47 = arith.constant 0 : i32
      %dma_start3A_48 = tpu.memref_slice %arg3[%add3A, %run_scoped3A_26, %dma_start3A, %dma_start3A_47] : memref<32x5x25x80xi32, #tpu.memory_space<hbm>> -> memref<1x1x25x80xi32, #tpu.memory_space<hbm>>
      %dma_start3A_49 = tpu.memref_squeeze %dma_start3A_48 : memref<1x1x25x80xi32, #tpu.memory_space<hbm>> -> memref<25x80xi32, #tpu.memory_space<hbm>>
      %dma_start3A_50 = arith.constant 0 : i32
      %dma_start3A_51 = arith.constant 0 : i32
      %dma_start3A_52 = tpu.memref_slice %arg3[%add3A, %run_scoped3A_26, %dma_start3A_50, %dma_start3A_51] : memref<32x5x25x80xi32, #tpu.memory_space<hbm>> -> memref<1x1x25x80xi32, #tpu.memory_space<hbm>>
      %dma_start3A_53 = tpu.memref_squeeze %dma_start3A_52 : memref<1x1x25x80xi32, #tpu.memory_space<hbm>> -> memref<25x80xi32, #tpu.memory_space<hbm>>
      tpu.enqueue_dma source(%dma_start3A_53 : memref<25x80xi32, #tpu.memory_space<hbm>>) target(%arg8 : memref<25x80xi32, #tpu.memory_space<vmem>>) target_semaphore(%run_scoped3A_46 : memref<!tpu.dma_semaphore, #tpu.memory_space<semaphore_mem>>)
      %dma_wait3A = arith.constant 0 : i32
      %dma_wait3A_54 = arith.constant 0 : i32
      %dma_wait3A_55 = tpu.memref_slice %arg3[%add3A, %run_scoped3A_26, %dma_wait3A, %dma_wait3A_54] : memref<32x5x25x80xi32, #tpu.memory_space<hbm>> -> memref<1x1x25x80xi32, #tpu.memory_space<hbm>>
      %dma_wait3A_56 = tpu.memref_squeeze %dma_wait3A_55 : memref<1x1x25x80xi32, #tpu.memory_space<hbm>> -> memref<25x80xi32, #tpu.memory_space<hbm>>
      %dma_wait3A_57 = arith.constant 0 : i32
      %dma_wait3A_58 = arith.constant 0 : i32
      %dma_wait3A_59 = tpu.memref_slice %arg3[%add3A, %run_scoped3A_26, %dma_wait3A_57, %dma_wait3A_58] : memref<32x5x25x80xi32, #tpu.memory_space<hbm>> -> memref<1x1x25x80xi32, #tpu.memory_space<hbm>>
      %dma_wait3A_60 = tpu.memref_squeeze %dma_wait3A_59 : memref<1x1x25x80xi32, #tpu.memory_space<hbm>> -> memref<25x80xi32, #tpu.memory_space<hbm>>
      tpu.wait_dma2 semaphore(%run_scoped3A_46 : memref<!tpu.dma_semaphore, #tpu.memory_space<semaphore_mem>>) src(%dma_wait3A_60 : memref<25x80xi32, #tpu.memory_space<hbm>>) dst(%arg8 : memref<25x80xi32, #tpu.memory_space<vmem>>)
      tpu.yield
    }) : () -> ()
    %scan3A_27 = arith.constant 0 : i32
    %scan3A_28 = arith.constant 0 : i32
    %scan3A_29 = arith.constant 25 : i32
    %scan3A_30 = arith.addi %scan3A_28, %scan3A_29 : i32
    %scan3A_31 = arith.constant 1 : i32
    scf.for %scan3A_46 = %scan3A_28 to %scan3A_30 step %scan3A_31  : i32 {
      %dma_start3A = arith.constant 0 : i32
      %dma_start3A_47 = tpu.memref_slice %arg7[%scan3A_46, %dma_start3A] : memref<25x80xi32, #tpu.memory_space<vmem>> -> memref<1x80xi32, #tpu.memory_space<vmem>>
      %dma_start3A_48 = tpu.memref_squeeze %dma_start3A_47 : memref<1x80xi32, #tpu.memory_space<vmem>> -> memref<80xi32, #tpu.memory_space<vmem>>
      %dma_start3A_49 = arith.constant 0 : i32
      %dma_start3A_50 = arith.constant 0 : i32
      %dma_start3A_51 = tpu.memref_slice %arg4[%dma_start3A_49, %dma_start3A_50] : memref<10000x128xf32, #tpu.memory_space<hbm>> -> memref<10000x128xf32, #tpu.memory_space<hbm>>
      tpu.enqueue_indirect_dma source(%dma_start3A_51 : memref<10000x128xf32, #tpu.memory_space<hbm>>) target(%arg9 : memref<80x128xf32, #tpu.memory_space<vmem>>) offsets(%dma_start3A_48 : memref<80xi32, #tpu.memory_space<vmem>>) semaphore(%arg11 : memref<!tpu.dma_semaphore, #tpu.memory_space<semaphore_mem>>)
      %dma_wait3A = arith.constant 0 : i32
      %dma_wait3A_52 = tpu.memref_slice %arg7[%scan3A_46, %dma_wait3A] : memref<25x80xi32, #tpu.memory_space<vmem>> -> memref<1x80xi32, #tpu.memory_space<vmem>>
      %dma_wait3A_53 = tpu.memref_squeeze %dma_wait3A_52 : memref<1x80xi32, #tpu.memory_space<vmem>> -> memref<80xi32, #tpu.memory_space<vmem>>
      %dma_wait3A_54 = arith.constant 0 : i32
      %dma_wait3A_55 = arith.constant 0 : i32
      %dma_wait3A_56 = tpu.memref_slice %arg4[%dma_wait3A_54, %dma_wait3A_55] : memref<10000x128xf32, #tpu.memory_space<hbm>> -> memref<10000x128xf32, #tpu.memory_space<hbm>>
      tpu.wait_indirect_dma semaphore(%arg11 : memref<!tpu.dma_semaphore, #tpu.memory_space<semaphore_mem>>) src(%dma_wait3A_56 : memref<10000x128xf32, #tpu.memory_space<hbm>>) dst(%arg9 : memref<80x128xf32, #tpu.memory_space<vmem>>)
      "tpu.region"() ({
        %run_scoped3A_57 = tpu.sem_alloc : memref<!tpu.dma_semaphore, #tpu.memory_space<semaphore_mem>>
        %dma_start3A_58 = arith.constant 0 : i32
        %dma_start3A_59 = tpu.memref_slice %arg8[%scan3A_46, %dma_start3A_58] : memref<25x80xi32, #tpu.memory_space<vmem>> -> memref<1x80xi32, #tpu.memory_space<vmem>>
        %dma_start3A_60 = tpu.memref_squeeze %dma_start3A_59 : memref<1x80xi32, #tpu.memory_space<vmem>> -> memref<80xi32, #tpu.memory_space<vmem>>
        %dma_start3A_61 = arith.constant 0 : i32
        %dma_start3A_62 = arith.constant 0 : i32
        %dma_start3A_63 = tpu.memref_slice %arg10[%dma_start3A_61, %dma_start3A_62] : memref<10240x128xf32, #tpu.memory_space<vmem_shared>> -> memref<10240x128xf32, #tpu.memory_space<vmem_shared>>
        tpu.enqueue_indirect_dma source(%arg9 : memref<80x128xf32, #tpu.memory_space<vmem>>) target(%dma_start3A_63 : memref<10240x128xf32, #tpu.memory_space<vmem_shared>>) offsets(%dma_start3A_60 : memref<80xi32, #tpu.memory_space<vmem>>) semaphore(%run_scoped3A_57 : memref<!tpu.dma_semaphore, #tpu.memory_space<semaphore_mem>>) {add = true}
        %dma_wait3A_64 = arith.constant 0 : i32
        %dma_wait3A_65 = tpu.memref_slice %arg8[%scan3A_46, %dma_wait3A_64] : memref<25x80xi32, #tpu.memory_space<vmem>> -> memref<1x80xi32, #tpu.memory_space<vmem>>
        %dma_wait3A_66 = tpu.memref_squeeze %dma_wait3A_65 : memref<1x80xi32, #tpu.memory_space<vmem>> -> memref<80xi32, #tpu.memory_space<vmem>>
        %dma_wait3A_67 = arith.constant 0 : i32
        %dma_wait3A_68 = arith.constant 0 : i32
        %dma_wait3A_69 = tpu.memref_slice %arg10[%dma_wait3A_67, %dma_wait3A_68] : memref<10240x128xf32, #tpu.memory_space<vmem_shared>> -> memref<10240x128xf32, #tpu.memory_space<vmem_shared>>
        tpu.wait_indirect_dma semaphore(%run_scoped3A_57 : memref<!tpu.dma_semaphore, #tpu.memory_space<semaphore_mem>>) src(%arg9 : memref<80x128xf32, #tpu.memory_space<vmem>>) dst(%dma_wait3A_69 : memref<10240x128xf32, #tpu.memory_space<vmem_shared>>)
        tpu.yield
      }) : () -> ()
    }
    %scan3A_32 = arith.constant 25 : i32
    %run_scoped3A_33 = arith.constant 4 : i32
    "tpu.region"() ({
      %run_scoped3A_46 = tpu.sem_alloc : memref<!tpu.dma_semaphore, #tpu.memory_space<semaphore_mem>>
      %dma_start3A = arith.constant 0 : i32
      %dma_start3A_47 = arith.constant 0 : i32
      %dma_start3A_48 = tpu.memref_slice %arg2[%add3A, %run_scoped3A_33, %dma_start3A, %dma_start3A_47] : memref<32x5x25x80xi32, #tpu.memory_space<hbm>> -> memref<1x1x25x80xi32, #tpu.memory_space<hbm>>
      %dma_start3A_49 = tpu.memref_squeeze %dma_start3A_48 : memref<1x1x25x80xi32, #tpu.memory_space<hbm>> -> memref<25x80xi32, #tpu.memory_space<hbm>>
      %dma_start3A_50 = arith.constant 0 : i32
      %dma_start3A_51 = arith.constant 0 : i32
      %dma_start3A_52 = tpu.memref_slice %arg2[%add3A, %run_scoped3A_33, %dma_start3A_50, %dma_start3A_51] : memref<32x5x25x80xi32, #tpu.memory_space<hbm>> -> memref<1x1x25x80xi32, #tpu.memory_space<hbm>>
      %dma_start3A_53 = tpu.memref_squeeze %dma_start3A_52 : memref<1x1x25x80xi32, #tpu.memory_space<hbm>> -> memref<25x80xi32, #tpu.memory_space<hbm>>
      tpu.enqueue_dma source(%dma_start3A_53 : memref<25x80xi32, #tpu.memory_space<hbm>>) target(%arg7 : memref<25x80xi32, #tpu.memory_space<vmem>>) target_semaphore(%run_scoped3A_46 : memref<!tpu.dma_semaphore, #tpu.memory_space<semaphore_mem>>)
      %dma_wait3A = arith.constant 0 : i32
      %dma_wait3A_54 = arith.constant 0 : i32
      %dma_wait3A_55 = tpu.memref_slice %arg2[%add3A, %run_scoped3A_33, %dma_wait3A, %dma_wait3A_54] : memref<32x5x25x80xi32, #tpu.memory_space<hbm>> -> memref<1x1x25x80xi32, #tpu.memory_space<hbm>>
      %dma_wait3A_56 = tpu.memref_squeeze %dma_wait3A_55 : memref<1x1x25x80xi32, #tpu.memory_space<hbm>> -> memref<25x80xi32, #tpu.memory_space<hbm>>
      %dma_wait3A_57 = arith.constant 0 : i32
      %dma_wait3A_58 = arith.constant 0 : i32
      %dma_wait3A_59 = tpu.memref_slice %arg2[%add3A, %run_scoped3A_33, %dma_wait3A_57, %dma_wait3A_58] : memref<32x5x25x80xi32, #tpu.memory_space<hbm>> -> memref<1x1x25x80xi32, #tpu.memory_space<hbm>>
      %dma_wait3A_60 = tpu.memref_squeeze %dma_wait3A_59 : memref<1x1x25x80xi32, #tpu.memory_space<hbm>> -> memref<25x80xi32, #tpu.memory_space<hbm>>
      tpu.wait_dma2 semaphore(%run_scoped3A_46 : memref<!tpu.dma_semaphore, #tpu.memory_space<semaphore_mem>>) src(%dma_wait3A_60 : memref<25x80xi32, #tpu.memory_space<hbm>>) dst(%arg7 : memref<25x80xi32, #tpu.memory_space<vmem>>)
      tpu.yield
    }) : () -> ()
    %run_scoped3A_34 = arith.constant 4 : i32
    "tpu.region"() ({
      %run_scoped3A_46 = tpu.sem_alloc : memref<!tpu.dma_semaphore, #tpu.memory_space<semaphore_mem>>
      %dma_start3A = arith.constant 0 : i32
      %dma_start3A_47 = arith.constant 0 : i32
      %dma_start3A_48 = tpu.memref_slice %arg3[%add3A, %run_scoped3A_34, %dma_start3A, %dma_start3A_47] : memref<32x5x25x80xi32, #tpu.memory_space<hbm>> -> memref<1x1x25x80xi32, #tpu.memory_space<hbm>>
      %dma_start3A_49 = tpu.memref_squeeze %dma_start3A_48 : memref<1x1x25x80xi32, #tpu.memory_space<hbm>> -> memref<25x80xi32, #tpu.memory_space<hbm>>
      %dma_start3A_50 = arith.constant 0 : i32
      %dma_start3A_51 = arith.constant 0 : i32
      %dma_start3A_52 = tpu.memref_slice %arg3[%add3A, %run_scoped3A_34, %dma_start3A_50, %dma_start3A_51] : memref<32x5x25x80xi32, #tpu.memory_space<hbm>> -> memref<1x1x25x80xi32, #tpu.memory_space<hbm>>
      %dma_start3A_53 = tpu.memref_squeeze %dma_start3A_52 : memref<1x1x25x80xi32, #tpu.memory_space<hbm>> -> memref<25x80xi32, #tpu.memory_space<hbm>>
      tpu.enqueue_dma source(%dma_start3A_53 : memref<25x80xi32, #tpu.memory_space<hbm>>) target(%arg8 : memref<25x80xi32, #tpu.memory_space<vmem>>) target_semaphore(%run_scoped3A_46 : memref<!tpu.dma_semaphore, #tpu.memory_space<semaphore_mem>>)
      %dma_wait3A = arith.constant 0 : i32
      %dma_wait3A_54 = arith.constant 0 : i32
      %dma_wait3A_55 = tpu.memref_slice %arg3[%add3A, %run_scoped3A_34, %dma_wait3A, %dma_wait3A_54] : memref<32x5x25x80xi32, #tpu.memory_space<hbm>> -> memref<1x1x25x80xi32, #tpu.memory_space<hbm>>
      %dma_wait3A_56 = tpu.memref_squeeze %dma_wait3A_55 : memref<1x1x25x80xi32, #tpu.memory_space<hbm>> -> memref<25x80xi32, #tpu.memory_space<hbm>>
      %dma_wait3A_57 = arith.constant 0 : i32
      %dma_wait3A_58 = arith.constant 0 : i32
      %dma_wait3A_59 = tpu.memref_slice %arg3[%add3A, %run_scoped3A_34, %dma_wait3A_57, %dma_wait3A_58] : memref<32x5x25x80xi32, #tpu.memory_space<hbm>> -> memref<1x1x25x80xi32, #tpu.memory_space<hbm>>
      %dma_wait3A_60 = tpu.memref_squeeze %dma_wait3A_59 : memref<1x1x25x80xi32, #tpu.memory_space<hbm>> -> memref<25x80xi32, #tpu.memory_space<hbm>>
      tpu.wait_dma2 semaphore(%run_scoped3A_46 : memref<!tpu.dma_semaphore, #tpu.memory_space<semaphore_mem>>) src(%dma_wait3A_60 : memref<25x80xi32, #tpu.memory_space<hbm>>) dst(%arg8 : memref<25x80xi32, #tpu.memory_space<vmem>>)
      tpu.yield
    }) : () -> ()
    %scan3A_35 = arith.constant 0 : i32
    %scan3A_36 = arith.constant 0 : i32
    %scan3A_37 = arith.constant 25 : i32
    %scan3A_38 = arith.addi %scan3A_36, %scan3A_37 : i32
    %scan3A_39 = arith.constant 1 : i32
    scf.for %scan3A_46 = %scan3A_36 to %scan3A_38 step %scan3A_39  : i32 {
      %dma_start3A = arith.constant 0 : i32
      %dma_start3A_47 = tpu.memref_slice %arg7[%scan3A_46, %dma_start3A] : memref<25x80xi32, #tpu.memory_space<vmem>> -> memref<1x80xi32, #tpu.memory_space<vmem>>
      %dma_start3A_48 = tpu.memref_squeeze %dma_start3A_47 : memref<1x80xi32, #tpu.memory_space<vmem>> -> memref<80xi32, #tpu.memory_space<vmem>>
      %dma_start3A_49 = arith.constant 0 : i32
      %dma_start3A_50 = arith.constant 0 : i32
      %dma_start3A_51 = tpu.memref_slice %arg4[%dma_start3A_49, %dma_start3A_50] : memref<10000x128xf32, #tpu.memory_space<hbm>> -> memref<10000x128xf32, #tpu.memory_space<hbm>>
      tpu.enqueue_indirect_dma source(%dma_start3A_51 : memref<10000x128xf32, #tpu.memory_space<hbm>>) target(%arg9 : memref<80x128xf32, #tpu.memory_space<vmem>>) offsets(%dma_start3A_48 : memref<80xi32, #tpu.memory_space<vmem>>) semaphore(%arg11 : memref<!tpu.dma_semaphore, #tpu.memory_space<semaphore_mem>>)
      %dma_wait3A = arith.constant 0 : i32
      %dma_wait3A_52 = tpu.memref_slice %arg7[%scan3A_46, %dma_wait3A] : memref<25x80xi32, #tpu.memory_space<vmem>> -> memref<1x80xi32, #tpu.memory_space<vmem>>
      %dma_wait3A_53 = tpu.memref_squeeze %dma_wait3A_52 : memref<1x80xi32, #tpu.memory_space<vmem>> -> memref<80xi32, #tpu.memory_space<vmem>>
      %dma_wait3A_54 = arith.constant 0 : i32
      %dma_wait3A_55 = arith.constant 0 : i32
      %dma_wait3A_56 = tpu.memref_slice %arg4[%dma_wait3A_54, %dma_wait3A_55] : memref<10000x128xf32, #tpu.memory_space<hbm>> -> memref<10000x128xf32, #tpu.memory_space<hbm>>
      tpu.wait_indirect_dma semaphore(%arg11 : memref<!tpu.dma_semaphore, #tpu.memory_space<semaphore_mem>>) src(%dma_wait3A_56 : memref<10000x128xf32, #tpu.memory_space<hbm>>) dst(%arg9 : memref<80x128xf32, #tpu.memory_space<vmem>>)
      "tpu.region"() ({
        %run_scoped3A_57 = tpu.sem_alloc : memref<!tpu.dma_semaphore, #tpu.memory_space<semaphore_mem>>
        %dma_start3A_58 = arith.constant 0 : i32
        %dma_start3A_59 = tpu.memref_slice %arg8[%scan3A_46, %dma_start3A_58] : memref<25x80xi32, #tpu.memory_space<vmem>> -> memref<1x80xi32, #tpu.memory_space<vmem>>
        %dma_start3A_60 = tpu.memref_squeeze %dma_start3A_59 : memref<1x80xi32, #tpu.memory_space<vmem>> -> memref<80xi32, #tpu.memory_space<vmem>>
        %dma_start3A_61 = arith.constant 0 : i32
        %dma_start3A_62 = arith.constant 0 : i32
        %dma_start3A_63 = tpu.memref_slice %arg10[%dma_start3A_61, %dma_start3A_62] : memref<10240x128xf32, #tpu.memory_space<vmem_shared>> -> memref<10240x128xf32, #tpu.memory_space<vmem_shared>>
        tpu.enqueue_indirect_dma source(%arg9 : memref<80x128xf32, #tpu.memory_space<vmem>>) target(%dma_start3A_63 : memref<10240x128xf32, #tpu.memory_space<vmem_shared>>) offsets(%dma_start3A_60 : memref<80xi32, #tpu.memory_space<vmem>>) semaphore(%run_scoped3A_57 : memref<!tpu.dma_semaphore, #tpu.memory_space<semaphore_mem>>) {add = true}
        %dma_wait3A_64 = arith.constant 0 : i32
        %dma_wait3A_65 = tpu.memref_slice %arg8[%scan3A_46, %dma_wait3A_64] : memref<25x80xi32, #tpu.memory_space<vmem>> -> memref<1x80xi32, #tpu.memory_space<vmem>>
        %dma_wait3A_66 = tpu.memref_squeeze %dma_wait3A_65 : memref<1x80xi32, #tpu.memory_space<vmem>> -> memref<80xi32, #tpu.memory_space<vmem>>
        %dma_wait3A_67 = arith.constant 0 : i32
        %dma_wait3A_68 = arith.constant 0 : i32
        %dma_wait3A_69 = tpu.memref_slice %arg10[%dma_wait3A_67, %dma_wait3A_68] : memref<10240x128xf32, #tpu.memory_space<vmem_shared>> -> memref<10240x128xf32, #tpu.memory_space<vmem_shared>>
        tpu.wait_indirect_dma semaphore(%run_scoped3A_57 : memref<!tpu.dma_semaphore, #tpu.memory_space<semaphore_mem>>) src(%arg9 : memref<80x128xf32, #tpu.memory_space<vmem>>) dst(%dma_wait3A_69 : memref<10240x128xf32, #tpu.memory_space<vmem_shared>>)
        tpu.yield
      }) : () -> ()
    }
    %scan3A_40 = arith.constant 25 : i32
    %barrier3A_41 = arith.constant 0 : index
    tpu.barrier barrier_id(%barrier3A_41)
    %mul3A_42 = arith.constant 640 : i32
    %mul3A_43 = arith.muli %arg1, %mul3A_42 : i32
    %mul3A_44 = arith.constant 640 : i32
    %mul3A_45 = arith.muli %arg1, %mul3A_44 : i32
    "tpu.region"() ({
      %run_scoped3A_46 = tpu.sem_alloc : memref<!tpu.dma_semaphore, #tpu.memory_space<semaphore_mem>>
      %dma_start3A = arith.constant 0 : i32
      %dma_start3A_47 = tpu.memref_slice %arg6[%arg0, %mul3A_45, %dma_start3A] : memref<2x10240x128xf32, #tpu.memory_space<hbm>> -> memref<1x640x128xf32, #tpu.memory_space<hbm>>
      %dma_start3A_48 = tpu.memref_squeeze %dma_start3A_47 : memref<1x640x128xf32, #tpu.memory_space<hbm>> -> memref<640x128xf32, #tpu.memory_space<hbm>>
      %dma_start3A_49 = arith.constant 0 : i32
      %dma_start3A_50 = tpu.memref_slice %arg10[%mul3A_43, %dma_start3A_49] : memref<10240x128xf32, #tpu.memory_space<vmem_shared>> -> memref<640x128xf32, #tpu.memory_space<vmem_shared>>
      tpu.enqueue_dma source(%dma_start3A_50 : memref<640x128xf32, #tpu.memory_space<vmem_shared>>) target(%dma_start3A_48 : memref<640x128xf32, #tpu.memory_space<hbm>>) target_semaphore(%run_scoped3A_46 : memref<!tpu.dma_semaphore, #tpu.memory_space<semaphore_mem>>)
      %dma_wait3A = arith.constant 0 : i32
      %dma_wait3A_51 = tpu.memref_slice %arg6[%arg0, %mul3A_45, %dma_wait3A] : memref<2x10240x128xf32, #tpu.memory_space<hbm>> -> memref<1x640x128xf32, #tpu.memory_space<hbm>>
      %dma_wait3A_52 = tpu.memref_squeeze %dma_wait3A_51 : memref<1x640x128xf32, #tpu.memory_space<hbm>> -> memref<640x128xf32, #tpu.memory_space<hbm>>
      %dma_wait3A_53 = arith.constant 0 : i32
      %dma_wait3A_54 = tpu.memref_slice %arg10[%mul3A_43, %dma_wait3A_53] : memref<10240x128xf32, #tpu.memory_space<vmem_shared>> -> memref<640x128xf32, #tpu.memory_space<vmem_shared>>
      tpu.wait_dma2 semaphore(%run_scoped3A_46 : memref<!tpu.dma_semaphore, #tpu.memory_space<semaphore_mem>>) src(%dma_wait3A_54 : memref<640x128xf32, #tpu.memory_space<vmem_shared>>) dst(%dma_wait3A_52 : memref<640x128xf32, #tpu.memory_space<hbm>>)
      tpu.yield
    }) : () -> ()
    return
  }
}

module attributes {stable_mosaic.version = 14 : i64} {
  func.func @body(%arg0: i32, %arg1: memref<1000x128xf32, #tpu.memory_space<vmem>>, %arg2: memref<2x1000x128xf32, #tpu.memory_space<vmem>>, %arg3: memref<2x1000x16xf32, #tpu.memory_space<vmem>>, %arg4: memref<128x128xf32, #tpu.memory_space<vmem>>, %arg5: memref<128x128xf32, #tpu.memory_space<vmem>>, %arg6: memref<16x128xf32, #tpu.memory_space<vmem>>, %arg7: memref<1x128xf32, #tpu.memory_space<vmem>>, %arg8: memref<128x32xf32, #tpu.memory_space<vmem>>, %arg9: memref<1x32xf32, #tpu.memory_space<vmem>>, %arg10: memref<32x16xf32, #tpu.memory_space<vmem>>, %arg11: memref<1x16xf32, #tpu.memory_space<vmem>>, %arg12: memref<16x8xf32, #tpu.memory_space<vmem>>, %arg13: memref<1x8xf32, #tpu.memory_space<vmem>>, %arg14: memref<1000x8xf32, #tpu.memory_space<vmem>>) attributes {dimension_semantics = [#tpu.dimension_semantics<arbitrary>], iteration_bounds = array<i64: 10>, scalar_prefetch = 0 : i64, scratch_operands = 0 : i64, tpu.core_type = #tpu.core_type<tc>, window_params = [{transform_indices = @transform_0, window_bounds = array<i64: 1000, 128>}, {transform_indices = @transform_1, window_bounds = array<i64: 2, 1000, 128>}, {transform_indices = @transform_2, window_bounds = array<i64: 2, 1000, 16>}, {pipeline_mode = #tpu.pipeline_mode<synchronous>, transform_indices = @transform_3, window_bounds = array<i64: 128, 128>}, {pipeline_mode = #tpu.pipeline_mode<synchronous>, transform_indices = @transform_4, window_bounds = array<i64: 128, 128>}, {pipeline_mode = #tpu.pipeline_mode<synchronous>, transform_indices = @transform_5, window_bounds = array<i64: 16, 128>}, {pipeline_mode = #tpu.pipeline_mode<synchronous>, transform_indices = @transform_6, window_bounds = array<i64: 1, 128>}, {pipeline_mode = #tpu.pipeline_mode<synchronous>, transform_indices = @transform_7, window_bounds = array<i64: 128, 32>}, {pipeline_mode = #tpu.pipeline_mode<synchronous>, transform_indices = @transform_8, window_bounds = array<i64: 1, 32>}, {pipeline_mode = #tpu.pipeline_mode<synchronous>, transform_indices = @transform_9, window_bounds = array<i64: 32, 16>}, {pipeline_mode = #tpu.pipeline_mode<synchronous>, transform_indices = @transform_10, window_bounds = array<i64: 1, 16>}, {pipeline_mode = #tpu.pipeline_mode<synchronous>, transform_indices = @transform_11, window_bounds = array<i64: 16, 8>}, {pipeline_mode = #tpu.pipeline_mode<synchronous>, transform_indices = @transform_12, window_bounds = array<i64: 1, 8>}, {transform_indices = @transform_13, window_bounds = array<i64: 1000, 8>}]} {
    %get3A = arith.constant 0 : index
    %get3A_0 = arith.constant 0 : index
    %get3A_1 = arith.constant 0 : index
    %get3A_2 = vector.load %arg2[%get3A, %get3A_0, %get3A_1] : memref<2x1000x128xf32, #tpu.memory_space<vmem>>, vector<1x1000x128xf32>
    %get3A_3 = vector.shape_cast %get3A_2 : vector<1x1000x128xf32> to vector<1000x128xf32>
    %get3A_4 = arith.constant 1 : index
    %get3A_5 = arith.constant 0 : index
    %get3A_6 = arith.constant 0 : index
    %get3A_7 = vector.load %arg2[%get3A_4, %get3A_5, %get3A_6] : memref<2x1000x128xf32, #tpu.memory_space<vmem>>, vector<1x1000x128xf32>
    %get3A_8 = vector.shape_cast %get3A_7 : vector<1x1000x128xf32> to vector<1000x128xf32>
    %add3A = arith.addf %get3A_3, %get3A_8 : vector<1000x128xf32>
    %get3A_9 = arith.constant 0 : index
    %get3A_10 = arith.constant 0 : index
    %get3A_11 = arith.constant 0 : index
    %get3A_12 = vector.load %arg3[%get3A_9, %get3A_10, %get3A_11] : memref<2x1000x16xf32, #tpu.memory_space<vmem>>, vector<1x1000x16xf32>
    %get3A_13 = vector.shape_cast %get3A_12 : vector<1x1000x16xf32> to vector<1000x16xf32>
    %get3A_14 = arith.constant 1 : index
    %get3A_15 = arith.constant 0 : index
    %get3A_16 = arith.constant 0 : index
    %get3A_17 = vector.load %arg3[%get3A_14, %get3A_15, %get3A_16] : memref<2x1000x16xf32, #tpu.memory_space<vmem>>, vector<1x1000x16xf32>
    %get3A_18 = vector.shape_cast %get3A_17 : vector<1x1000x16xf32> to vector<1000x16xf32>
    %add3A_19 = arith.addf %get3A_13, %get3A_18 : vector<1000x16xf32>
    %get3A_20 = arith.constant 0 : index
    %get3A_21 = arith.constant 0 : index
    %get3A_22 = vector.load %arg1[%get3A_20, %get3A_21] : memref<1000x128xf32, #tpu.memory_space<vmem>>, vector<1000x128xf32>
    %get3A_23 = arith.constant 0 : index
    %get3A_24 = arith.constant 0 : index
    %get3A_25 = vector.load %arg4[%get3A_23, %get3A_24] : memref<128x128xf32, #tpu.memory_space<vmem>>, vector<128x128xf32>
    %dot_general3A = arith.constant dense<0.000000e+00> : vector<1000x128xf32>
    %dot_general3A_26 = tpu.matmul %get3A_22, %get3A_25, %dot_general3A {dimension_numbers = #tpu.dot_dimension_numbers<[1], [0], [0], [1], [0, 0, 1, 1], [], []>, transpose_lhs_hint = false} : vector<1000x128xf32>, vector<128x128xf32>, vector<1000x128xf32> -> vector<1000x128xf32>
    %get3A_27 = arith.constant 0 : index
    %get3A_28 = arith.constant 0 : index
    %get3A_29 = vector.load %arg5[%get3A_27, %get3A_28] : memref<128x128xf32, #tpu.memory_space<vmem>>, vector<128x128xf32>
    %dot_general3A_30 = arith.constant dense<0.000000e+00> : vector<1000x128xf32>
    %dot_general3A_31 = tpu.matmul %add3A, %get3A_29, %dot_general3A_30 {dimension_numbers = #tpu.dot_dimension_numbers<[1], [0], [0], [1], [0, 0, 1, 1], [], []>, transpose_lhs_hint = false} : vector<1000x128xf32>, vector<128x128xf32>, vector<1000x128xf32> -> vector<1000x128xf32>
    %add3A_32 = arith.addf %dot_general3A_26, %dot_general3A_31 : vector<1000x128xf32>
    %get3A_33 = arith.constant 0 : index
    %get3A_34 = arith.constant 0 : index
    %get3A_35 = vector.load %arg6[%get3A_33, %get3A_34] : memref<16x128xf32, #tpu.memory_space<vmem>>, vector<16x128xf32>
    %dot_general3A_36 = arith.constant dense<0.000000e+00> : vector<1000x128xf32>
    %dot_general3A_37 = tpu.matmul %add3A_19, %get3A_35, %dot_general3A_36 {dimension_numbers = #tpu.dot_dimension_numbers<[1], [0], [0], [1], [0, 0, 1, 1], [], []>, transpose_lhs_hint = false} : vector<1000x16xf32>, vector<16x128xf32>, vector<1000x128xf32> -> vector<1000x128xf32>
    %add3A_38 = arith.addf %add3A_32, %dot_general3A_37 : vector<1000x128xf32>
    %get3A_39 = arith.constant 0 : index
    %get3A_40 = arith.constant 0 : index
    %get3A_41 = vector.load %arg7[%get3A_39, %get3A_40] : memref<1x128xf32, #tpu.memory_space<vmem>>, vector<1x128xf32>
    %add3A_42 = vector.broadcast %get3A_41 : vector<1x128xf32> to vector<1000x128xf32>
    %add3A_43 = arith.addf %add3A_38, %add3A_42 : vector<1000x128xf32>
    %max3A = arith.constant 0.000000e+00 : f32
    %max3A_44 = vector.broadcast %max3A : f32 to vector<1000x128xf32>
    %max3A_45 = arith.maximumf %add3A_43, %max3A_44 : vector<1000x128xf32>
    %get3A_46 = arith.constant 0 : index
    %get3A_47 = arith.constant 0 : index
    %get3A_48 = vector.load %arg8[%get3A_46, %get3A_47] : memref<128x32xf32, #tpu.memory_space<vmem>>, vector<128x32xf32>
    %dot_general3A_49 = arith.constant dense<0.000000e+00> : vector<1000x32xf32>
    %dot_general3A_50 = tpu.matmul %max3A_45, %get3A_48, %dot_general3A_49 {dimension_numbers = #tpu.dot_dimension_numbers<[1], [0], [0], [1], [0, 0, 1, 1], [], []>, transpose_lhs_hint = false} : vector<1000x128xf32>, vector<128x32xf32>, vector<1000x32xf32> -> vector<1000x32xf32>
    %get3A_51 = arith.constant 0 : index
    %get3A_52 = arith.constant 0 : index
    %get3A_53 = vector.load %arg9[%get3A_51, %get3A_52] : memref<1x32xf32, #tpu.memory_space<vmem>>, vector<1x32xf32>
    %add3A_54 = vector.broadcast %get3A_53 : vector<1x32xf32> to vector<1000x32xf32>
    %add3A_55 = arith.addf %dot_general3A_50, %add3A_54 : vector<1000x32xf32>
    %max3A_56 = arith.constant 0.000000e+00 : f32
    %max3A_57 = vector.broadcast %max3A_56 : f32 to vector<1000x32xf32>
    %max3A_58 = arith.maximumf %add3A_55, %max3A_57 : vector<1000x32xf32>
    %get3A_59 = arith.constant 0 : index
    %get3A_60 = arith.constant 0 : index
    %get3A_61 = vector.load %arg10[%get3A_59, %get3A_60] : memref<32x16xf32, #tpu.memory_space<vmem>>, vector<32x16xf32>
    %dot_general3A_62 = arith.constant dense<0.000000e+00> : vector<1000x16xf32>
    %dot_general3A_63 = tpu.matmul %max3A_58, %get3A_61, %dot_general3A_62 {dimension_numbers = #tpu.dot_dimension_numbers<[1], [0], [0], [1], [0, 0, 1, 1], [], []>, transpose_lhs_hint = false} : vector<1000x32xf32>, vector<32x16xf32>, vector<1000x16xf32> -> vector<1000x16xf32>
    %get3A_64 = arith.constant 0 : index
    %get3A_65 = arith.constant 0 : index
    %get3A_66 = vector.load %arg11[%get3A_64, %get3A_65] : memref<1x16xf32, #tpu.memory_space<vmem>>, vector<1x16xf32>
    %add3A_67 = vector.broadcast %get3A_66 : vector<1x16xf32> to vector<1000x16xf32>
    %add3A_68 = arith.addf %dot_general3A_63, %add3A_67 : vector<1000x16xf32>
    %max3A_69 = arith.constant 0.000000e+00 : f32
    %max3A_70 = vector.broadcast %max3A_69 : f32 to vector<1000x16xf32>
    %max3A_71 = arith.maximumf %add3A_68, %max3A_70 : vector<1000x16xf32>
    %get3A_72 = arith.constant 0 : index
    %get3A_73 = arith.constant 0 : index
    %get3A_74 = vector.load %arg12[%get3A_72, %get3A_73] : memref<16x8xf32, #tpu.memory_space<vmem>>, vector<16x8xf32>
    %dot_general3A_75 = arith.constant dense<0.000000e+00> : vector<1000x8xf32>
    %dot_general3A_76 = tpu.matmul %max3A_71, %get3A_74, %dot_general3A_75 {dimension_numbers = #tpu.dot_dimension_numbers<[1], [0], [0], [1], [0, 0, 1, 1], [], []>, transpose_lhs_hint = false} : vector<1000x16xf32>, vector<16x8xf32>, vector<1000x8xf32> -> vector<1000x8xf32>
    %get3A_77 = arith.constant 0 : index
    %get3A_78 = arith.constant 0 : index
    %get3A_79 = vector.load %arg13[%get3A_77, %get3A_78] : memref<1x8xf32, #tpu.memory_space<vmem>>, vector<1x8xf32>
    %add3A_80 = vector.broadcast %get3A_79 : vector<1x8xf32> to vector<1000x8xf32>
    %add3A_81 = arith.addf %dot_general3A_76, %add3A_80 : vector<1000x8xf32>
    %swap3A = arith.constant 0 : index
    %swap3A_82 = arith.constant 0 : index
    %swap3A_83 = vector.load %arg14[%swap3A, %swap3A_82] : memref<1000x8xf32, #tpu.memory_space<vmem>>, vector<1000x8xf32>
    tpu.vector_store %arg14[%swap3A, %swap3A_82], %add3A_81 {strides = array<i32>} : memref<1000x8xf32, #tpu.memory_space<vmem>>, vector<1000x8xf32>,
    return
  }
  func.func @transform_0(%arg0: i32) -> (i32, i32) {
    %c0_i32 = arith.constant 0 : i32
    %c0_i32_0 = arith.constant 0 : i32
    return %arg0, %c0_i32 : i32, i32
  }
  func.func @transform_1(%arg0: i32) -> (i32, i32, i32) {
    %c0_i32 = arith.constant 0 : i32
    %c0_i32_0 = arith.constant 0 : i32
    %c0_i32_1 = arith.constant 0 : i32
    return %c0_i32, %arg0, %c0_i32_0 : i32, i32, i32
  }
  func.func @transform_2(%arg0: i32) -> (i32, i32, i32) {
    %c0_i32 = arith.constant 0 : i32
    %c0_i32_0 = arith.constant 0 : i32
    %c0_i32_1 = arith.constant 0 : i32
    return %c0_i32, %arg0, %c0_i32_0 : i32, i32, i32
  }
  func.func @transform_3(%arg0: i32) -> (i32, i32) {
    %c0_i32 = arith.constant 0 : i32
    %c0_i32_0 = arith.constant 0 : i32
    %c0_i32_1 = arith.constant 0 : i32
    return %c0_i32, %c0_i32_0 : i32, i32
  }
  func.func @transform_4(%arg0: i32) -> (i32, i32) {
    %c0_i32 = arith.constant 0 : i32
    %c0_i32_0 = arith.constant 0 : i32
    %c0_i32_1 = arith.constant 0 : i32
    return %c0_i32, %c0_i32_0 : i32, i32
  }
  func.func @transform_5(%arg0: i32) -> (i32, i32) {
    %c0_i32 = arith.constant 0 : i32
    %c0_i32_0 = arith.constant 0 : i32
    %c0_i32_1 = arith.constant 0 : i32
    return %c0_i32, %c0_i32_0 : i32, i32
  }
  func.func @transform_6(%arg0: i32) -> (i32, i32) {
    %c0_i32 = arith.constant 0 : i32
    %c0_i32_0 = arith.constant 0 : i32
    %c0_i32_1 = arith.constant 0 : i32
    return %c0_i32, %c0_i32_0 : i32, i32
  }
  func.func @transform_7(%arg0: i32) -> (i32, i32) {
    %c0_i32 = arith.constant 0 : i32
    %c0_i32_0 = arith.constant 0 : i32
    %c0_i32_1 = arith.constant 0 : i32
    return %c0_i32, %c0_i32_0 : i32, i32
  }
  func.func @transform_8(%arg0: i32) -> (i32, i32) {
    %c0_i32 = arith.constant 0 : i32
    %c0_i32_0 = arith.constant 0 : i32
    %c0_i32_1 = arith.constant 0 : i32
    return %c0_i32, %c0_i32_0 : i32, i32
  }
  func.func @transform_9(%arg0: i32) -> (i32, i32) {
    %c0_i32 = arith.constant 0 : i32
    %c0_i32_0 = arith.constant 0 : i32
    %c0_i32_1 = arith.constant 0 : i32
    return %c0_i32, %c0_i32_0 : i32, i32
  }
  func.func @transform_10(%arg0: i32) -> (i32, i32) {
    %c0_i32 = arith.constant 0 : i32
    %c0_i32_0 = arith.constant 0 : i32
    %c0_i32_1 = arith.constant 0 : i32
    return %c0_i32, %c0_i32_0 : i32, i32
  }
  func.func @transform_11(%arg0: i32) -> (i32, i32) {
    %c0_i32 = arith.constant 0 : i32
    %c0_i32_0 = arith.constant 0 : i32
    %c0_i32_1 = arith.constant 0 : i32
    return %c0_i32, %c0_i32_0 : i32, i32
  }
  func.func @transform_12(%arg0: i32) -> (i32, i32) {
    %c0_i32 = arith.constant 0 : i32
    %c0_i32_0 = arith.constant 0 : i32
    %c0_i32_1 = arith.constant 0 : i32
    return %c0_i32, %c0_i32_0 : i32, i32
  }
  func.func @transform_13(%arg0: i32) -> (i32, i32) {
    %c0_i32 = arith.constant 0 : i32
    %c0_i32_0 = arith.constant 0 : i32
    return %arg0, %c0_i32 : i32, i32
  }
}

</mosaic_0001>

<sc_bundles>
// kernel: kernel.5.cloned.1.call-start
scs
__scs_entry_jumppad:
0x0: {  	(pc) =	sbr.rel $0x88, $3  }
0x1: {  	(tag) =	ssettag $0x0;
	lr =	simm.s32 $0x1  }
0x2: {  	[smem:$0x3F94] =	sst lr;
	_ =	strace $0xD0000000  }
0x3: {  	_ = 	snop  }
0x4: {  	_ = 	snop  }
0x5: {  	_ = 	snop  }
0x6: {  	_ = 	snop  }
0x7: {  	_ = 	snop  }
__scs_overlays_trampoline_lowered:
0x8: {  	[smem:$0x3FA3] =	sst s0  }
0x9: {  	[smem:$0x3FA4] =	sst s1  }
0xa: {  	[smem:$0x3FA5] =	sst s2  }
0xb: {  	[smem:$0x3FA6] =	sst s3  }
0xc: {  	[smem:$0x3FA7] =	sst s4  }
0xd: {  	[smem:$0x3FA8] =	sst s5  }
0xe: {  	[smem:$0x3FA9] =	sst s6  }
0xf: {  	[smem:$0x3FAA] =	sst s7  }
0x10: {  	[smem:$0x3FAB] =	sst s8  }
0x11: {  	[smem:$0x3FAC] =	sst s9;
	s0 =	simm.s32 @!p0 $0x0  }
0x12: {  	s1 =	sld [smem:$0x3F92];
	s0 =	simm.s32 @p0 $0x1  }
0x13: {  	[smem:$0x3FAD] =	sst s0;
	s0 =	simm.s32 @!p1 $0x0  }
0x14: {  	s2 =	sld [smem:$0x3F91];
	s0 =	simm.s32 @p1 $0x1  }
0x15: {  	[smem:$0x3FAE] =	sst s0;
	s0 =	simm.s32 @!p2 $0x0  }
0x16: {  	s3 =	sld [smem:$0x3FDB];
	s0 =	simm.s32 @p2 $0x1  }
0x17: {  	s4 =	simm.s32 $0x1BF5;
	[smem:$0x3FB0] =	sst s0  }
0x18: {  	s0 =	sld [smem:$0x3F93];
	_ =	swait.ge [sflag:s4], $0x0  }
0x19: {  	s7 =	sld [smem:$0x3F94]  }
0x1a: {  	s8 =	sadd.s32 $0xFFFFE003, lr  }
0x1b: {  	s9 =	sadd.s32 $0xFFFFFEF7, lr;
	s5 =	simm.s32 $0xFFFFFFFF;
	p2 =	slt.u32 s8, $0xFFFFF086  }
0x1c: {  	p1 =	slt.u32 s9, $0xF7A;
	s5 =	simm.s32 @!p2 $0x0  }
0x1d: {  	s5 =	simm.s32 @p1 $0x1;
	p0 =	seq.s32 s7, s2  }
0x1e: {  	s7 =	smul.u32 @!p0 $0xF7A, s2;
	p2 =	seq.s32 @!p0 s5, $0x0  }
0x1f: {  	s9 =	smul.u32 $0xF7A, s1;
	s8 =	simm.s32 @!p0 $0x1BF5;
	p2 =	por !p2, p0  }
0x20: {  	[sflag:s8] =	ssyncset.s32 @!p0 $0xFFFFF086;
	s6 =	sadd.s32 @!p0 s3, s7;
	s7 =	simm.s32 @!p0 $0x108  }
0x21: {  	s3 =	sadd.s32 s3, s9;
	s6 =	sadd.s32 @!p0 $0x88, s6;
	s7 =	simm.s32 @p2 $0x1082  }
0x22: {  	[simem:s7], [sflag:s8] =	dma.local @!p0 [hbm:s6], $0xF7A  }
0x23: {  	s9 =	sor.u32 $0xD0000000, s2;
	s6 =	simm.s32 $0x108;
	_ =	swait.ge @!p0 [sflag:s8], $0x0  }
0x24: {  	s3 =	sadd.s32 $0x88, s3;
	s6 =	simm.s32 @!p1 $0x1082;
	[sflag:s4] =	ssyncset.s32 $0xFFFFF086  }
0x25: {  	[simem:s6], [sflag:s4] =	dma.local [hbm:s3], $0xF7A  }
0x26: {  	[smem:$0x3F94] =	sst s1;
	(tag) =	ssettag s2;
	_ =	strace s9  }
0x27: {  	s1 =	sld [smem:$0x3FA4]  }
0x28: {  	s2 =	sld [smem:$0x3FA5]  }
0x29: {  	s4 =	sld [smem:$0x3FA7]  }
0x2a: {  	p0 =	seq.s32 s5, $0x0;
	s5 =	sld [smem:$0x3FA8]  }
0x2b: {  	s6 =	sld [smem:$0x3FA9]  }
0x2c: {  	s7 =	sld [smem:$0x3FAA]  }
0x2d: {  	s3 =	simm.s32 $0x108;
	s8 =	sld [smem:$0x3FAB]  }
0x2e: {  	s3 =	simm.s32 @!p0 $0x1082;
	s9 =	sld [smem:$0x3FAC]  }
0x2f: {  	lr =	sadd.s32 s0, s3;
	s0 =	sld [smem:$0x3FA3]  }
0x30: {  	s3 =	sld [smem:$0x3FA6]  }
0x31: {  	[smem:$0x3FAF] =	sst s10  }
0x32: {  	s10 =	sld [smem:$0x3FAD];
	_ =	sdelay $0x3  }
0x33: {  	p0 =	seq.s32 s10, $0x1;
	s10 =	sld [smem:$0x3FAF];
	_ =	sdelay $0x3  }
0x34: {  	[smem:$0x3FAF] =	sst s10  }
0x35: {  	s10 =	sld [smem:$0x3FAE];
	_ =	sdelay $0x3  }
0x36: {  	p1 =	seq.s32 s10, $0x1;
	s10 =	sld [smem:$0x3FAF];
	_ =	sdelay $0x3  }
0x37: {  	[smem:$0x3FAF] =	sst s10  }
0x38: {  	s10 =	sld [smem:$0x3FB0]  }
0x39: {  	_ = 	snop;
	(pc) =	sbr.ind lr, $3  }
0x3a: {  	_ = 	snop  }
0x3b: {  	_ = 	snop  }
0x3c: {  	p2 =	seq.s32 s10, $0x1;
	s10 =	sld [smem:$0x3FAF]  }
0x3d: {  	_ =	shalt  }
0x3e: {  	_ =	shalt  }
0x3f: {  	_ =	shalt  }
0x40: {  	_ =	shalt  }
0x41: {  	_ =	shalt  }
0x42: {  	_ =	shalt  }
0x43: {  	_ =	shalt  }
0x44: {  	_ =	shalt  }
0x45: {  	_ =	shalt  }
0x46: {  	_ =	shalt  }
0x47: {  	_ =	shalt  }
0x48: {  	_ =	shalt  }
0x49: {  	_ =	shalt  }
0x4a: {  	_ =	shalt  }
0x4b: {  	_ =	shalt  }
0x4c: {  	_ =	shalt  }
0x4d: {  	_ =	shalt  }
0x4e: {  	_ =	shalt  }
0x4f: {  	_ =	shalt  }
0x50: {  	_ =	shalt  }
0x51: {  	_ =	shalt  }
0x52: {  	_ =	shalt  }
0x53: {  	_ =	shalt  }
0x54: {  	_ =	shalt  }
0x55: {  	_ =	shalt  }
0x56: {  	_ =	shalt  }
0x57: {  	_ =	shalt  }
0x58: {  	_ =	shalt  }
0x59: {  	_ =	shalt  }
0x5a: {  	_ =	shalt  }
0x5b: {  	_ =	shalt  }
0x5c: {  	_ =	shalt  }
0x5d: {  	_ =	shalt  }
0x5e: {  	_ =	shalt  }
0x5f: {  	_ =	shalt  }
0x60: {  	_ =	shalt  }
0x61: {  	_ =	shalt  }
0x62: {  	_ =	shalt  }
0x63: {  	_ =	shalt  }
0x64: {  	_ =	shalt  }
0x65: {  	_ =	shalt  }
0x66: {  	_ =	shalt  }
0x67: {  	_ =	shalt  }
0x68: {  	_ =	shalt  }
0x69: {  	_ =	shalt  }
0x6a: {  	_ =	shalt  }
0x6b: {  	_ =	shalt  }
0x6c: {  	_ =	shalt  }
0x6d: {  	_ =	shalt  }
0x6e: {  	_ =	shalt  }
0x6f: {  	_ =	shalt  }
0x70: {  	_ =	shalt  }
0x71: {  	_ =	shalt  }
0x72: {  	_ =	shalt  }
0x73: {  	_ =	shalt  }
0x74: {  	_ =	shalt  }
0x75: {  	_ =	shalt  }
0x76: {  	_ =	shalt  }
0x77: {  	_ =	shalt  }
0x78: {  	_ =	shalt  }
0x79: {  	_ =	shalt  }
0x7a: {  	_ =	shalt  }
0x7b: {  	_ =	shalt  }
0x7c: {  	_ =	shalt  }
0x7d: {  	_ =	shalt  }
0x7e: {  	_ =	shalt  }
0x7f: {  	_ =	shalt  }
0x80: {  	_ =	shalt  }
0x81: {  	_ =	shalt  }
0x82: {  	_ =	shalt  }
0x83: {  	_ =	shalt  }
0x84: {  	_ =	shalt  }
0x85: {  	_ =	shalt  }
0x86: {  	_ =	shalt  }
0x87: {  	_ =	shalt  }
.Lfunc_end0:
.L_simem_size_0:
called_computation_lowered:
.L_overlay_start_0:
0x88: {  	s2 =	sld [smem:$0x3FD9]  }
0x89: {  	s3 =	sld [smem:$0x3FFE];
	_ =	sdelay $0x1  }
0x8a: {  	s1 =	srdreg.scid  }
0x8b: {  	s0 =	sand.u32 $0x1, s1  }
0x8c: {  	s17 =	sshll.u32 s0, $0xA;
	s2 =	sadd.s32 s3, s2  }
0x8d: {  	s2 =	sadd.s32 s2, s17  }
0x8e: {  	[smem:$0x3FBB] =	sst s2  }
0x8f: {  	_ = 	snop  }
0x90: {  	s2 =	sld [smem:$0x3FC9];
	(tm) =	ssettm $0x1  }
0x91: {  	s18 =	sld [smem:$0x3FFB];
	_ =	sdelay $0x3  }
0x92: {  	_ =	strace s18  }
0x93: {  	s3 =	sld [smem:$0x3FFC];
	_ =	sdelay $0x3  }
0x94: {  	_ =	strace s3  }
0x95: {  	s3 =	sld [smem:$0x3FFD];
	_ =	sdelay $0x3  }
0x96: {  	_ =	strace s3  }
0x97: {  	_ =	strace $0x8FFFFFFF  }
0x98: {  	s19 =	sld [smem:$0x3FDB];
	_ =	sdelay $0x1  }
0x99: {  	s4 =	simm.s32 $_scs_section_size  }
0x9a: {  	s5 =	simm.s32 $_size__tile_overlayer_lowered;
	s6 =	simm.s32 $_tile_overlayer_lowered  }
0x9b: {  	s22 =	simm.s32 $0x1BFF;
	s21 =	sshll.u32 s6, $0x1;
	s3 =	sadd.s32 s4, s19  }
0x9c: {  	s7 =	simm.s32 $0x0;
	s20 =	sshll.u32 s5, $0x1;
	s5 =	sadd.s32 s21, s3  }
0x9d: {  	[timem:s7], [sflag:s22] =	dma.local [hbm:s5], s20  }
0x9e: {  	_ =	swait.ge [sflag:s22], s20  }
0x9f: {  	s4 =	ssub.s32 $0x0, s20;
	[sflag:s22] =	ssyncset.done $0x0  }
0xa0: {  	[sflag:s22] =	ssyncadd.s32 s4;
	_ =	sdelay $0x1  }
0xa1: {  	s23 =	simm.s32 $0x1B8B  }
0xa2: {  	_ =	swait.ge [sflag:s23], $0x1  }
0xa3: {  	[sflag:s23] =	ssyncset.done $0x0  }
0xa4: {  	s25 =	simm.s32 $0x1B8E;
	s24 =	sld [smem:$0x3FFE];
	[sflag:s23] =	ssyncadd.s32 $0xFFFFFFFF  }
0xa5: {  	s26 =	simm.s32 $execute0_lowered;
	[smem:$0x3FD2] =	sst s25  }
0xa6: {  	s5 =	sshll.u32 s26, $0x1;
	_ =	strace $0x80000046;
	[dreg:$0x1] =	wrdreg $0xFFFFFFFF  }
0xa7: {  	s28 =	simm.s32 $_size_execute0_lowered;
	s3 =	sadd.s32 s3, s5;
	[dreg:$0x0] =	wrdreg $0x0  }
0xa8: {  	s5 =	sshll.u32 s28, $0x1;
	[dreg:$0x2] =	wrdreg s3  }
0xa9: {  	[dreg:$0x3] =	wrdreg s5  }
0xaa: {  	[dreg:$0x4] =	wrdreg $0xC0  }
0xab: {  	_ =	task [dreg:s7], $0x5FFFF  }
0xac: {  	[dreg:$0x1] =	wrdreg $0xFFFFFFFF  }
0xad: {  	[dreg:$0x0] =	wrdreg $0x60  }
0xae: {  	[dreg:$0x2] =	wrdreg s24  }
0xaf: {  	[dreg:$0x3] =	wrdreg s2  }
0xb0: {  	[dreg:$0x4] =	wrdreg $0x48000  }
0xb1: {  	[dreg:$0x5] =	wrdreg $0x9  }
0xb2: {  	_ =	task.clear_ibuf [dreg:s7], $0x6FFFF;
	_ =	strace $0x90000046  }
0xb3: {  	s29 =	simm.s32 $0x9;
	_ =	strace $0x80000048  }
0xb4: {  	_ =	swait.ge [sflag:s29], $0x1  }
0xb5: {  	[sflag:s29] =	ssyncadd.s32 $0xFFFFFFFF  }
0xb6: {  	_ =	strace $0x90000048  }
0xb7: {  	_ =	sfence  }
0xb8: {  	s30 =	sld [smem:$0x0];
	_ =	sdelay $0x2  }
0xb9: {  	s31 =	sshll.u32 s1, $0xD;
	s1 =	sshrl.u32 s1, $0x2  }
0xba: {  	s3 =	sand.u32 $0x4000, s31;
	s1 =	sadd.s32 s1, s30  }
0xbb: {  	s0 =	sor.u32 s3, s0;
	s1 =	sshll.u32 s1, $0x11  }
0xbc: {  	s0 =	sor.u32 s1, s0  }
0xbd: {  	s0 =	sadd.s32 $0x8F2B, s0  }
0xbe: {  	[sflag:s0] =	ssyncadd.remote.s32 $0x1  }
0xbf: {  	_ =	sfence.sel $0xFFFF  }
0xc0: {  	[dreg:$0x0] =	wrdreg $0xFFFFFFFF;
	(pc) =	sbr.abs _section_cstart, $3  }
0xc1: {  	[dreg:$0x1] =	wrdreg $0xFFFFFFFF  }
0xc2: {  	_ =	task.clear_ibuf [dreg:s7], $0x2FFFF;
	_ =	strace $0x9FFFFFFF  }
0xc3: {  	(tm) =	ssettm $0x7FFFFFFF  }
tec
execute0_lowered:
.L_overlay_start_1:
0x0: {  	(tag) =	ssettag $0x1  }
0x1: {  	s6 =	rddreg [dreg:$0x0]  }
0x2: {  	s1 =	rddreg [dreg:$0x1]  }
0x3: {  	s2 =	rddreg [dreg:$0x2]  }
0x4: {  	s3 =	srdreg.scid;
	s0 =	rddreg [dreg:$0x3]  }
0x5: {  	s4 =	simm.s32 $0x0;
	s22 =	simm.s32 $0x50;
	s23 =	simm.s32 $0x2000  }
0x6: {  	s24 =	simm.s32 $0x1;
	s25 =	simm.s32 $0x0;
	s7 =	sand.u32 $0x1, s3  }
0x7: {  	s3 =	stileid.u32;
	[smem:$0x7FF] =	sst s4;
	s15 =	sadd.s32 $0x16C00, s6  }
0x8: {  	s16 =	sadd.s32 $0x2C00, s6;
	s5 =	sadd.s32 $0x2AC00, s6;
	s8 =	smul.u32 $0x140000, s7  }
0x9: {  	s9 =	smul.u32 $0x14000, s3;
	_ =	strace $0x80000047;
	s26 =	sshll.u32 s3, $0x1  }
0xa: {  	s10 =	ssub.s32 $0x2, s7;
	s28 =	smul.u32 $0x50000, s3;
	s30 =	sshll.u32 s3, $0x6  }
0xb: {  	s7 =	sor.u32 s7, s26;
	s11 =	sshrl.u32 s10, $0x1;
	s8 =	sadd.s32 s9, s8  }
0xc: {  	s7 =	smul.u32 $0x5000, s7;
	s18 =	ssub.s32 s10, s11;
	s29 =	sshrl.u32 s28, $0x2  }
0xd: {  	s8 =	sshrl.u32 s8, $0x3;
	s19 =	sadd.s32 s29, s2;
	s18 =	smax.u32 s18, $0x1  }
0xe: {  	s17 =	sadd.s32 s8, s6;
	s14 =	sshrl.u32 s7, $0x3;
	s6 =	sor.u32 $0x1C02, s30  }
0xf: {  	s19 =	sshrl.u32 s19, $0x3;
	s7 =	sadd.s32 s15, s14;
	s31 =	sadd.s32 $0x200, s14  }
0x10: {  	s8 =	sadd.s32 s16, s14;
	s12 =	sadd.s32 $0x400, s14;
	s20 =	sadd.s32 $0x600, s14  }
0x11: {  	s21 =	sadd.s32 $0x800, s14;
	s17 =	sadd.s32 $0x2D400, s17;
	s9 =	sadd.s32 s15, s31  }
0x12: {  	s10 =	sadd.s32 s16, s31;
	s11 =	sadd.s32 s15, s12;
	s12 =	sadd.s32 s16, s12  }
0x13: {  	s13 =	sadd.s32 s15, s20;
	s14 =	sadd.s32 s16, s20;
	s15 =	sadd.s32 s15, s21  }
0x14: {  	s16 =	sadd.s32 s16, s21;
	s20 =	simm.s32 $0x2;
	s21 =	simm.s32 $0x1000  }
.LBB2_1:
0x15: {  	[spmem:s19], [sflag:s6] =	dma.local [hbm:s5], $0x2800  }
0x16: {  	_ =	swait.ge [sflag:s20], $0x2800  }
0x17: {  	[sflag:s20] =	ssyncset.done $0x0  }
0x18: {  	[sflag:s20] =	ssyncadd.s32 $0xFFFFD800  }
0x19: {  	[bflag:$0x0] =	sbarrier.arrive $0xFFFF  }
0x1a: {  	[tilespmem:s4], [sflag:$0x2] =	stream.linear.gather [hbm4b:s7+s4], $0xC80, $0x38;
	[tilespmem:$0x18800] =	vst v63  }
0x1b: {  	_ =	swait.ge [sflag:s20], $0xC80  }
0x1c: {  	[sflag:s20] =	ssyncset.done $0x0  }
0x1d: {  	[sflag:s20] =	ssyncadd.s32 $0xFFFFF380  }
0x1e: {  	[tilespmem:s21], [sflag:$0x2] =	stream.linear.gather [hbm4b:s8+s4], $0xC80, $0x38;
	[tilespmem:$0x18800] =	vst v63  }
0x1f: {  	_ =	swait.ge [sflag:s20], $0xC80  }
0x20: {  	[sflag:s20] =	ssyncset.done $0x0  }
0x21: {  	s26 =	simm.s32 $0x0;
	[sflag:s20] =	ssyncadd.s32 $0xFFFFF380  }
0x22: {  	[tilespmem:s23], [sflag:$0x1] =	stream.indirect.gather [hbm4b:s1+s22], $0x80, s26, s22, $0xb8;
	[tilespmem:$0x18800] =	vst v63  }
0x23: {  	_ =	swait.ge [sflag:s24], $0x2800  }
0x24: {  	[sflag:s24] =	ssyncset.done $0x0  }
0x25: {  	s31 =	simm.s32 $0x1000;
	[sflag:s24] =	ssyncadd.s32 $0xFFFFD800  }
0x26: {  	[spmem:s2] =	stream.indirect.scatter.add.f32 [tilespmem:s23], [sflag:$0x2], $0x80, s31, s22, $0xb8;
	[tilespmem:$0x18800] =	vst v63  }
0x27: {  	_ =	swait.ge [sflag:s20], $0x2800  }
0x28: {  	s28 =	simm.s32 $0x400;
	s26 =	simm.s32 $0x200;
	[sflag:s20] =	ssyncset.done $0x0  }
.LBB2_2:
0x29: {  	s29 =	sshra.s32 s26, $0x2  }
0x2a: {  	[sflag:s20] =	ssyncadd.s32 $0xFFFFD800;
	s26 =	smov.u32 s28;
	s30 =	sadd.s32 $0x200, s28  }
0x2b: {  	[tilespmem:s23], [sflag:$0x1] =	stream.indirect.gather [hbm4b:s1+s22], $0x80, s29, s22, $0xb8;
	[tilespmem:$0x18800] =	vst v63  }
0x2c: {  	p0 =	sne.s32 s28, $0x3000;
	_ =	swait.ge [sflag:s24], $0x2800  }
.Ltmp0:
0x2d: {  	[sflag:s24] =	ssyncset.done $0x0;
	(pc) =	sbr.rel @p0 .LBB2_2-.Ltmp0, $4  }
0x2e: {  	s28 =	sadd.s32 $0x1000, s29;
	[sflag:s24] =	ssyncadd.s32 $0xFFFFD800  }
0x2f: {  	[spmem:s2] =	stream.indirect.scatter.add.f32 [tilespmem:s23], [sflag:$0x2], $0x80, s28, s22, $0xb8;
	[tilespmem:$0x18800] =	vst v63  }
0x30: {  	_ =	swait.ge [sflag:s20], $0x2800  }
0x31: {  	s28 =	smov.u32 s30;
	[sflag:s20] =	ssyncset.done $0x0  }
0x32: {  	s26 =	sshra.s32 s26, $0x2;
	[sflag:s20] =	ssyncadd.s32 $0xFFFFD800  }
0x33: {  	[tilespmem:s23], [sflag:$0x1] =	stream.indirect.gather [hbm4b:s1+s22], $0x80, s26, s22, $0xb8;
	[tilespmem:$0x18800] =	vst v63  }
0x34: {  	_ =	swait.ge [sflag:s24], $0x2800  }
0x35: {  	[sflag:s24] =	ssyncset.done $0x0  }
0x36: {  	s26 =	sadd.s32 $0x1000, s26;
	[sflag:s24] =	ssyncadd.s32 $0xFFFFD800  }
0x37: {  	[spmem:s2] =	stream.indirect.scatter.add.f32 [tilespmem:s23], [sflag:$0x2], $0x80, s26, s22, $0xb8;
	[tilespmem:$0x18800] =	vst v63  }
0x38: {  	_ =	swait.ge [sflag:s20], $0x2800  }
0x39: {  	[sflag:s20] =	ssyncset.done $0x0  }
0x3a: {  	s29 =	simm.s32 $0x0;
	[sflag:s20] =	ssyncadd.s32 $0xFFFFD800  }
0x3b: {  	[tilespmem:s29], [sflag:$0x2] =	stream.linear.gather [hbm4b:s9+s29], $0xC80, $0x38;
	[tilespmem:$0x18800] =	vst v63  }
0x3c: {  	_ =	swait.ge [sflag:s20], $0xC80  }
0x3d: {  	[sflag:s20] =	ssyncset.done $0x0  }
0x3e: {  	[sflag:s20] =	ssyncadd.s32 $0xFFFFF380  }
0x3f: {  	[tilespmem:s21], [sflag:$0x2] =	stream.linear.gather [hbm4b:s10+s29], $0xC80, $0x38;
	[tilespmem:$0x18800] =	vst v63  }
0x40: {  	_ =	swait.ge [sflag:s20], $0xC80  }
0x41: {  	[sflag:s20] =	ssyncset.done $0x0  }
0x42: {  	s30 =	simm.s32 $0x0;
	[sflag:s20] =	ssyncadd.s32 $0xFFFFF380  }
0x43: {  	[tilespmem:s23], [sflag:$0x1] =	stream.indirect.gather [hbm4b:s1+s22], $0x80, s30, s22, $0xb8;
	[tilespmem:$0x18800] =	vst v63  }
0x44: {  	_ =	swait.ge [sflag:s24], $0x2800  }
0x45: {  	[sflag:s24] =	ssyncset.done $0x0  }
0x46: {  	s31 =	simm.s32 $0x1000;
	[sflag:s24] =	ssyncadd.s32 $0xFFFFD800  }
0x47: {  	[spmem:s2] =	stream.indirect.scatter.add.f32 [tilespmem:s23], [sflag:$0x2], $0x80, s31, s22, $0xb8;
	[tilespmem:$0x18800] =	vst v63  }
0x48: {  	_ =	swait.ge [sflag:s20], $0x2800  }
0x49: {  	s28 =	simm.s32 $0x400;
	s26 =	simm.s32 $0x200;
	[sflag:s20] =	ssyncset.done $0x0  }
.LBB2_4:
0x4a: {  	s29 =	sshra.s32 s26, $0x2  }
0x4b: {  	[sflag:s20] =	ssyncadd.s32 $0xFFFFD800;
	s26 =	smov.u32 s28;
	s30 =	sadd.s32 $0x200, s28  }
0x4c: {  	[tilespmem:s23], [sflag:$0x1] =	stream.indirect.gather [hbm4b:s1+s22], $0x80, s29, s22, $0xb8;
	[tilespmem:$0x18800] =	vst v63  }
0x4d: {  	p0 =	sne.s32 s28, $0x3000;
	_ =	swait.ge [sflag:s24], $0x2800  }
.Ltmp1:
0x4e: {  	[sflag:s24] =	ssyncset.done $0x0;
	(pc) =	sbr.rel @p0 .LBB2_4-.Ltmp1, $4  }
0x4f: {  	s28 =	sadd.s32 $0x1000, s29;
	[sflag:s24] =	ssyncadd.s32 $0xFFFFD800  }
0x50: {  	[spmem:s2] =	stream.indirect.scatter.add.f32 [tilespmem:s23], [sflag:$0x2], $0x80, s28, s22, $0xb8;
	[tilespmem:$0x18800] =	vst v63  }
0x51: {  	_ =	swait.ge [sflag:s20], $0x2800  }
0x52: {  	s28 =	smov.u32 s30;
	[sflag:s20] =	ssyncset.done $0x0  }
0x53: {  	s26 =	sshra.s32 s26, $0x2;
	[sflag:s20] =	ssyncadd.s32 $0xFFFFD800  }
0x54: {  	[tilespmem:s23], [sflag:$0x1] =	stream.indirect.gather [hbm4b:s1+s22], $0x80, s26, s22, $0xb8;
	[tilespmem:$0x18800] =	vst v63  }
0x55: {  	_ =	swait.ge [sflag:s24], $0x2800  }
0x56: {  	[sflag:s24] =	ssyncset.done $0x0  }
0x57: {  	s26 =	sadd.s32 $0x1000, s26;
	[sflag:s24] =	ssyncadd.s32 $0xFFFFD800  }
0x58: {  	[spmem:s2] =	stream.indirect.scatter.add.f32 [tilespmem:s23], [sflag:$0x2], $0x80, s26, s22, $0xb8;
	[tilespmem:$0x18800] =	vst v63  }
0x59: {  	_ =	swait.ge [sflag:s20], $0x2800  }
0x5a: {  	[sflag:s20] =	ssyncset.done $0x0  }
0x5b: {  	s29 =	simm.s32 $0x0;
	[sflag:s20] =	ssyncadd.s32 $0xFFFFD800  }
0x5c: {  	[tilespmem:s29], [sflag:$0x2] =	stream.linear.gather [hbm4b:s11+s29], $0xC80, $0x38;
	[tilespmem:$0x18800] =	vst v63  }
0x5d: {  	_ =	swait.ge [sflag:s20], $0xC80  }
0x5e: {  	[sflag:s20] =	ssyncset.done $0x0  }
0x5f: {  	[sflag:s20] =	ssyncadd.s32 $0xFFFFF380  }
0x60: {  	[tilespmem:s21], [sflag:$0x2] =	stream.linear.gather [hbm4b:s12+s29], $0xC80, $0x38;
	[tilespmem:$0x18800] =	vst v63  }
0x61: {  	_ =	swait.ge [sflag:s20], $0xC80  }
0x62: {  	[sflag:s20] =	ssyncset.done $0x0  }
0x63: {  	s30 =	simm.s32 $0x0;
	[sflag:s20] =	ssyncadd.s32 $0xFFFFF380  }
0x64: {  	[tilespmem:s23], [sflag:$0x1] =	stream.indirect.gather [hbm4b:s1+s22], $0x80, s30, s22, $0xb8;
	[tilespmem:$0x18800] =	vst v63  }
0x65: {  	_ =	swait.ge [sflag:s24], $0x2800  }
0x66: {  	[sflag:s24] =	ssyncset.done $0x0  }
0x67: {  	s31 =	simm.s32 $0x1000;
	[sflag:s24] =	ssyncadd.s32 $0xFFFFD800  }
0x68: {  	[spmem:s2] =	stream.indirect.scatter.add.f32 [tilespmem:s23], [sflag:$0x2], $0x80, s31, s22, $0xb8;
	[tilespmem:$0x18800] =	vst v63  }
0x69: {  	_ =	swait.ge [sflag:s20], $0x2800  }
0x6a: {  	s28 =	simm.s32 $0x400;
	s26 =	simm.s32 $0x200;
	[sflag:s20] =	ssyncset.done $0x0  }
.LBB2_6:
0x6b: {  	s29 =	sshra.s32 s26, $0x2  }
0x6c: {  	[sflag:s20] =	ssyncadd.s32 $0xFFFFD800;
	s26 =	smov.u32 s28;
	s30 =	sadd.s32 $0x200, s28  }
0x6d: {  	[tilespmem:s23], [sflag:$0x1] =	stream.indirect.gather [hbm4b:s1+s22], $0x80, s29, s22, $0xb8;
	[tilespmem:$0x18800] =	vst v63  }
0x6e: {  	p0 =	sne.s32 s28, $0x3000;
	_ =	swait.ge [sflag:s24], $0x2800  }
.Ltmp2:
0x6f: {  	[sflag:s24] =	ssyncset.done $0x0;
	(pc) =	sbr.rel @p0 .LBB2_6-.Ltmp2, $4  }
0x70: {  	s28 =	sadd.s32 $0x1000, s29;
	[sflag:s24] =	ssyncadd.s32 $0xFFFFD800  }
0x71: {  	[spmem:s2] =	stream.indirect.scatter.add.f32 [tilespmem:s23], [sflag:$0x2], $0x80, s28, s22, $0xb8;
	[tilespmem:$0x18800] =	vst v63  }
0x72: {  	_ =	swait.ge [sflag:s20], $0x2800  }
0x73: {  	s28 =	smov.u32 s30;
	[sflag:s20] =	ssyncset.done $0x0  }
0x74: {  	s26 =	sshra.s32 s26, $0x2;
	[sflag:s20] =	ssyncadd.s32 $0xFFFFD800  }
0x75: {  	[tilespmem:s23], [sflag:$0x1] =	stream.indirect.gather [hbm4b:s1+s22], $0x80, s26, s22, $0xb8;
	[tilespmem:$0x18800] =	vst v63  }
0x76: {  	_ =	swait.ge [sflag:s24], $0x2800  }
0x77: {  	[sflag:s24] =	ssyncset.done $0x0  }
0x78: {  	s26 =	sadd.s32 $0x1000, s26;
	[sflag:s24] =	ssyncadd.s32 $0xFFFFD800  }
0x79: {  	[spmem:s2] =	stream.indirect.scatter.add.f32 [tilespmem:s23], [sflag:$0x2], $0x80, s26, s22, $0xb8;
	[tilespmem:$0x18800] =	vst v63  }
0x7a: {  	_ =	swait.ge [sflag:s20], $0x2800  }
0x7b: {  	[sflag:s20] =	ssyncset.done $0x0  }
0x7c: {  	s29 =	simm.s32 $0x0;
	[sflag:s20] =	ssyncadd.s32 $0xFFFFD800  }
0x7d: {  	[tilespmem:s29], [sflag:$0x2] =	stream.linear.gather [hbm4b:s13+s29], $0xC80, $0x38;
	[tilespmem:$0x18800] =	vst v63  }
0x7e: {  	_ =	swait.ge [sflag:s20], $0xC80  }
0x7f: {  	[sflag:s20] =	ssyncset.done $0x0  }
0x80: {  	[sflag:s20] =	ssyncadd.s32 $0xFFFFF380  }
0x81: {  	[tilespmem:s21], [sflag:$0x2] =	stream.linear.gather [hbm4b:s14+s29], $0xC80, $0x38;
	[tilespmem:$0x18800] =	vst v63  }
0x82: {  	_ =	swait.ge [sflag:s20], $0xC80  }
0x83: {  	[sflag:s20] =	ssyncset.done $0x0  }
0x84: {  	s30 =	simm.s32 $0x0;
	[sflag:s20] =	ssyncadd.s32 $0xFFFFF380  }
0x85: {  	[tilespmem:s23], [sflag:$0x1] =	stream.indirect.gather [hbm4b:s1+s22], $0x80, s30, s22, $0xb8;
	[tilespmem:$0x18800] =	vst v63  }
0x86: {  	_ =	swait.ge [sflag:s24], $0x2800  }
0x87: {  	[sflag:s24] =	ssyncset.done $0x0  }
0x88: {  	s31 =	simm.s32 $0x1000;
	[sflag:s24] =	ssyncadd.s32 $0xFFFFD800  }
0x89: {  	[spmem:s2] =	stream.indirect.scatter.add.f32 [tilespmem:s23], [sflag:$0x2], $0x80, s31, s22, $0xb8;
	[tilespmem:$0x18800] =	vst v63  }
0x8a: {  	_ =	swait.ge [sflag:s20], $0x2800  }
0x8b: {  	s28 =	simm.s32 $0x400;
	s26 =	simm.s32 $0x200;
	[sflag:s20] =	ssyncset.done $0x0  }
.LBB2_8:
0x8c: {  	s29 =	sshra.s32 s26, $0x2  }
0x8d: {  	[sflag:s20] =	ssyncadd.s32 $0xFFFFD800;
	s26 =	smov.u32 s28;
	s30 =	sadd.s32 $0x200, s28  }
0x8e: {  	[tilespmem:s23], [sflag:$0x1] =	stream.indirect.gather [hbm4b:s1+s22], $0x80, s29, s22, $0xb8;
	[tilespmem:$0x18800] =	vst v63  }
0x8f: {  	p0 =	sne.s32 s28, $0x3000;
	_ =	swait.ge [sflag:s24], $0x2800  }
.Ltmp3:
0x90: {  	[sflag:s24] =	ssyncset.done $0x0;
	(pc) =	sbr.rel @p0 .LBB2_8-.Ltmp3, $4  }
0x91: {  	s28 =	sadd.s32 $0x1000, s29;
	[sflag:s24] =	ssyncadd.s32 $0xFFFFD800  }
0x92: {  	[spmem:s2] =	stream.indirect.scatter.add.f32 [tilespmem:s23], [sflag:$0x2], $0x80, s28, s22, $0xb8;
	[tilespmem:$0x18800] =	vst v63  }
0x93: {  	_ =	swait.ge [sflag:s20], $0x2800  }
0x94: {  	s28 =	smov.u32 s30;
	[sflag:s20] =	ssyncset.done $0x0  }
0x95: {  	s26 =	sshra.s32 s26, $0x2;
	[sflag:s20] =	ssyncadd.s32 $0xFFFFD800  }
0x96: {  	[tilespmem:s23], [sflag:$0x1] =	stream.indirect.gather [hbm4b:s1+s22], $0x80, s26, s22, $0xb8;
	[tilespmem:$0x18800] =	vst v63  }
0x97: {  	_ =	swait.ge [sflag:s24], $0x2800  }
0x98: {  	[sflag:s24] =	ssyncset.done $0x0  }
0x99: {  	s26 =	sadd.s32 $0x1000, s26;
	[sflag:s24] =	ssyncadd.s32 $0xFFFFD800  }
0x9a: {  	[spmem:s2] =	stream.indirect.scatter.add.f32 [tilespmem:s23], [sflag:$0x2], $0x80, s26, s22, $0xb8;
	[tilespmem:$0x18800] =	vst v63  }
0x9b: {  	_ =	swait.ge [sflag:s20], $0x2800  }
0x9c: {  	[sflag:s20] =	ssyncset.done $0x0  }
0x9d: {  	s29 =	simm.s32 $0x0;
	[sflag:s20] =	ssyncadd.s32 $0xFFFFD800  }
0x9e: {  	[tilespmem:s29], [sflag:$0x2] =	stream.linear.gather [hbm4b:s15+s29], $0xC80, $0x38;
	[tilespmem:$0x18800] =	vst v63  }
0x9f: {  	_ =	swait.ge [sflag:s20], $0xC80  }
0xa0: {  	[sflag:s20] =	ssyncset.done $0x0  }
0xa1: {  	[sflag:s20] =	ssyncadd.s32 $0xFFFFF380  }
0xa2: {  	[tilespmem:s21], [sflag:$0x2] =	stream.linear.gather [hbm4b:s16+s29], $0xC80, $0x38;
	[tilespmem:$0x18800] =	vst v63  }
0xa3: {  	_ =	swait.ge [sflag:s20], $0xC80  }
0xa4: {  	[sflag:s20] =	ssyncset.done $0x0  }
0xa5: {  	s30 =	simm.s32 $0x0;
	[sflag:s20] =	ssyncadd.s32 $0xFFFFF380  }
0xa6: {  	[tilespmem:s23], [sflag:$0x1] =	stream.indirect.gather [hbm4b:s1+s22], $0x80, s30, s22, $0xb8;
	[tilespmem:$0x18800] =	vst v63  }
0xa7: {  	_ =	swait.ge [sflag:s24], $0x2800  }
0xa8: {  	[sflag:s24] =	ssyncset.done $0x0  }
0xa9: {  	s31 =	simm.s32 $0x1000;
	[sflag:s24] =	ssyncadd.s32 $0xFFFFD800  }
0xaa: {  	[spmem:s2] =	stream.indirect.scatter.add.f32 [tilespmem:s23], [sflag:$0x2], $0x80, s31, s22, $0xb8;
	[tilespmem:$0x18800] =	vst v63  }
0xab: {  	_ =	swait.ge [sflag:s20], $0x2800  }
0xac: {  	s28 =	simm.s32 $0x400;
	s26 =	simm.s32 $0x200;
	[sflag:s20] =	ssyncset.done $0x0  }
.LBB2_10:
0xad: {  	s29 =	sshra.s32 s26, $0x2  }
0xae: {  	[sflag:s20] =	ssyncadd.s32 $0xFFFFD800;
	s26 =	smov.u32 s28;
	s30 =	sadd.s32 $0x200, s28  }
0xaf: {  	[tilespmem:s23], [sflag:$0x1] =	stream.indirect.gather [hbm4b:s1+s22], $0x80, s29, s22, $0xb8;
	[tilespmem:$0x18800] =	vst v63  }
0xb0: {  	p0 =	sne.s32 s28, $0x3000;
	_ =	swait.ge [sflag:s24], $0x2800  }
.Ltmp4:
0xb1: {  	[sflag:s24] =	ssyncset.done $0x0;
	(pc) =	sbr.rel @p0 .LBB2_10-.Ltmp4, $4  }
0xb2: {  	s28 =	sadd.s32 $0x1000, s29;
	[sflag:s24] =	ssyncadd.s32 $0xFFFFD800  }
0xb3: {  	[spmem:s2] =	stream.indirect.scatter.add.f32 [tilespmem:s23], [sflag:$0x2], $0x80, s28, s22, $0xb8;
	[tilespmem:$0x18800] =	vst v63  }
0xb4: {  	_ =	swait.ge [sflag:s20], $0x2800  }
0xb5: {  	s28 =	smov.u32 s30;
	[sflag:s20] =	ssyncset.done $0x0  }
0xb6: {  	s26 =	sshra.s32 s26, $0x2;
	[sflag:s20] =	ssyncadd.s32 $0xFFFFD800  }
0xb7: {  	[tilespmem:s23], [sflag:$0x1] =	stream.indirect.gather [hbm4b:s1+s22], $0x80, s26, s22, $0xb8;
	[tilespmem:$0x18800] =	vst v63  }
0xb8: {  	_ =	swait.ge [sflag:s24], $0x2800  }
0xb9: {  	[sflag:s24] =	ssyncset.done $0x0  }
0xba: {  	s26 =	sadd.s32 $0x1000, s26;
	[sflag:s24] =	ssyncadd.s32 $0xFFFFD800  }
0xbb: {  	[spmem:s2] =	stream.indirect.scatter.add.f32 [tilespmem:s23], [sflag:$0x2], $0x80, s26, s22, $0xb8;
	[tilespmem:$0x18800] =	vst v63  }
0xbc: {  	_ =	swait.ge [sflag:s20], $0x2800  }
0xbd: {  	s25 =	sadd.s32 $0x1, s25;
	[sflag:s20] =	ssyncset.done $0x0  }
0xbe: {  	p0 =	sne.s32 s25, s18;
	[sflag:s20] =	ssyncadd.s32 $0xFFFFD800  }
.Ltmp5:
0xbf: {  	[bflag:$0x0] =	sbarrier.arrive $0xFFFF;
	(pc) =	sbr.rel @p0 .LBB2_1-.Ltmp5, $4  }
0xc0: {  	[hbm:s17], [sflag:s6] =	dma.local [spmem:s19], $0x2800  }
0xc1: {  	_ =	swait.ge [sflag:s20], $0x2800  }
0xc2: {  	[sflag:s20] =	ssyncset.done $0x0  }
0xc3: {  	[sflag:s20] =	ssyncadd.s32 $0xFFFFD800  }
0xc4: {  	_ =	sfence.sel $0x180000  }
0xc5: {  	[bflag:$0x0] =	sbarrier.arrive $0xFFFF  }
0xc6: {  	p0 =	sne.s32 s3, $0x0;
	_ =	strace $0x90000047  }
0xc7: {  	s0 =	sadd.s32 @!p0 $0x100000, s0;
	[bflag:$0x2] =	sbarrier.arrive $0xFFFF  }
0xc8: {  	[sflag:s0] =	ssyncadd.tile.s32 @!p0 $0x1;
	_ =	shalt  }
.Lfunc_end2:
_tile_overlayer_lowered:
.L_overlay_start_2:
0xc9: {  	(tag) =	ssettag $0x2  }
0xca: {  	s0 =	rddreg [dreg:$0x0];
	s2 =	stileid.u32  }
0xcb: {  	s1 =	rddreg [dreg:$0x1];
	p0 =	sne.s32 s2, $0x0  }
0xcc: {  	s3 =	rddreg [dreg:$0x2];
	[bflag:$0x3] =	sbarrier.arrive $0xFFFF;
	s2 =	simm.s32 @!p0 $0x1C02  }
0xcd: {  	[timem:s3], [sflag:s2] =	dma.local @!p0 [hbm:s0], s1  }
0xce: {  	s0 =	simm.s32 @!p0 $0x2  }
0xcf: {  	_ =	swait.ge @!p0 [sflag:s0], s1  }
0xd0: {  	s1 =	ssub.s32 @!p0 $0x0, s1;
	[sflag:s0] =	ssyncset.done @!p0 $0x0  }
0xd1: {  	[sflag:s0] =	ssyncadd.s32 @!p0 s1  }
0xd2: {  	[bflag:$0x3] =	sbarrier.arrive $0xFFFF  }
0xd3: {  	_ =	shalt  }

// kernel: kernel.8.cloned.1.call-start
scs
__scs_entry_jumppad:
0x0: {  	(pc) =	sbr.rel $0x88, $3  }
0x1: {  	(tag) =	ssettag $0x0;
	lr =	simm.s32 $0x1  }
0x2: {  	[smem:$0x3F94] =	sst lr;
	_ =	strace $0xD0000000  }
0x3: {  	_ = 	snop  }
0x4: {  	_ = 	snop  }
0x5: {  	_ = 	snop  }
0x6: {  	_ = 	snop  }
0x7: {  	_ = 	snop  }
__scs_overlays_trampoline_lowered:
0x8: {  	[smem:$0x3FA3] =	sst s0  }
0x9: {  	[smem:$0x3FA4] =	sst s1  }
0xa: {  	[smem:$0x3FA5] =	sst s2  }
0xb: {  	[smem:$0x3FA6] =	sst s3  }
0xc: {  	[smem:$0x3FA7] =	sst s4  }
0xd: {  	[smem:$0x3FA8] =	sst s5  }
0xe: {  	[smem:$0x3FA9] =	sst s6  }
0xf: {  	[smem:$0x3FAA] =	sst s7  }
0x10: {  	[smem:$0x3FAB] =	sst s8  }
0x11: {  	[smem:$0x3FAC] =	sst s9;
	s0 =	simm.s32 @!p0 $0x0  }
0x12: {  	s1 =	sld [smem:$0x3F92];
	s0 =	simm.s32 @p0 $0x1  }
0x13: {  	[smem:$0x3FAD] =	sst s0;
	s0 =	simm.s32 @!p1 $0x0  }
0x14: {  	s2 =	sld [smem:$0x3F91];
	s0 =	simm.s32 @p1 $0x1  }
0x15: {  	[smem:$0x3FAE] =	sst s0;
	s0 =	simm.s32 @!p2 $0x0  }
0x16: {  	s3 =	sld [smem:$0x3FDB];
	s0 =	simm.s32 @p2 $0x1  }
0x17: {  	s4 =	simm.s32 $0x1BF5;
	[smem:$0x3FB0] =	sst s0  }
0x18: {  	s0 =	sld [smem:$0x3F93];
	_ =	swait.ge [sflag:s4], $0x0  }
0x19: {  	s7 =	sld [smem:$0x3F94]  }
0x1a: {  	s8 =	sadd.s32 $0xFFFFE003, lr  }
0x1b: {  	s9 =	sadd.s32 $0xFFFFFEF7, lr;
	s5 =	simm.s32 $0xFFFFFFFF;
	p2 =	slt.u32 s8, $0xFFFFF086  }
0x1c: {  	p1 =	slt.u32 s9, $0xF7A;
	s5 =	simm.s32 @!p2 $0x0  }
0x1d: {  	s5 =	simm.s32 @p1 $0x1;
	p0 =	seq.s32 s7, s2  }
0x1e: {  	s7 =	smul.u32 @!p0 $0xF7A, s2;
	p2 =	seq.s32 @!p0 s5, $0x0  }
0x1f: {  	s9 =	smul.u32 $0xF7A, s1;
	s8 =	simm.s32 @!p0 $0x1BF5;
	p2 =	por !p2, p0  }
0x20: {  	[sflag:s8] =	ssyncset.s32 @!p0 $0xFFFFF086;
	s6 =	sadd.s32 @!p0 s3, s7;
	s7 =	simm.s32 @!p0 $0x108  }
0x21: {  	s3 =	sadd.s32 s3, s9;
	s6 =	sadd.s32 @!p0 $0x88, s6;
	s7 =	simm.s32 @p2 $0x1082  }
0x22: {  	[simem:s7], [sflag:s8] =	dma.local @!p0 [hbm:s6], $0xF7A  }
0x23: {  	s9 =	sor.u32 $0xD0000000, s2;
	s6 =	simm.s32 $0x108;
	_ =	swait.ge @!p0 [sflag:s8], $0x0  }
0x24: {  	s3 =	sadd.s32 $0x88, s3;
	s6 =	simm.s32 @!p1 $0x1082;
	[sflag:s4] =	ssyncset.s32 $0xFFFFF086  }
0x25: {  	[simem:s6], [sflag:s4] =	dma.local [hbm:s3], $0xF7A  }
0x26: {  	[smem:$0x3F94] =	sst s1;
	(tag) =	ssettag s2;
	_ =	strace s9  }
0x27: {  	s1 =	sld [smem:$0x3FA4]  }
0x28: {  	s2 =	sld [smem:$0x3FA5]  }
0x29: {  	s4 =	sld [smem:$0x3FA7]  }
0x2a: {  	p0 =	seq.s32 s5, $0x0;
	s5 =	sld [smem:$0x3FA8]  }
0x2b: {  	s6 =	sld [smem:$0x3FA9]  }
0x2c: {  	s7 =	sld [smem:$0x3FAA]  }
0x2d: {  	s3 =	simm.s32 $0x108;
	s8 =	sld [smem:$0x3FAB]  }
0x2e: {  	s3 =	simm.s32 @!p0 $0x1082;
	s9 =	sld [smem:$0x3FAC]  }
0x2f: {  	lr =	sadd.s32 s0, s3;
	s0 =	sld [smem:$0x3FA3]  }
0x30: {  	s3 =	sld [smem:$0x3FA6]  }
0x31: {  	[smem:$0x3FAF] =	sst s10  }
0x32: {  	s10 =	sld [smem:$0x3FAD];
	_ =	sdelay $0x3  }
0x33: {  	p0 =	seq.s32 s10, $0x1;
	s10 =	sld [smem:$0x3FAF];
	_ =	sdelay $0x3  }
0x34: {  	[smem:$0x3FAF] =	sst s10  }
0x35: {  	s10 =	sld [smem:$0x3FAE];
	_ =	sdelay $0x3  }
0x36: {  	p1 =	seq.s32 s10, $0x1;
	s10 =	sld [smem:$0x3FAF];
	_ =	sdelay $0x3  }
0x37: {  	[smem:$0x3FAF] =	sst s10  }
0x38: {  	s10 =	sld [smem:$0x3FB0]  }
0x39: {  	_ = 	snop;
	(pc) =	sbr.ind lr, $3  }
0x3a: {  	_ = 	snop  }
0x3b: {  	_ = 	snop  }
0x3c: {  	p2 =	seq.s32 s10, $0x1;
	s10 =	sld [smem:$0x3FAF]  }
0x3d: {  	_ =	shalt  }
0x3e: {  	_ =	shalt  }
0x3f: {  	_ =	shalt  }
0x40: {  	_ =	shalt  }
0x41: {  	_ =	shalt  }
0x42: {  	_ =	shalt  }
0x43: {  	_ =	shalt  }
0x44: {  	_ =	shalt  }
0x45: {  	_ =	shalt  }
0x46: {  	_ =	shalt  }
0x47: {  	_ =	shalt  }
0x48: {  	_ =	shalt  }
0x49: {  	_ =	shalt  }
0x4a: {  	_ =	shalt  }
0x4b: {  	_ =	shalt  }
0x4c: {  	_ =	shalt  }
0x4d: {  	_ =	shalt  }
0x4e: {  	_ =	shalt  }
0x4f: {  	_ =	shalt  }
0x50: {  	_ =	shalt  }
0x51: {  	_ =	shalt  }
0x52: {  	_ =	shalt  }
0x53: {  	_ =	shalt  }
0x54: {  	_ =	shalt  }
0x55: {  	_ =	shalt  }
0x56: {  	_ =	shalt  }
0x57: {  	_ =	shalt  }
0x58: {  	_ =	shalt  }
0x59: {  	_ =	shalt  }
0x5a: {  	_ =	shalt  }
0x5b: {  	_ =	shalt  }
0x5c: {  	_ =	shalt  }
0x5d: {  	_ =	shalt  }
0x5e: {  	_ =	shalt  }
0x5f: {  	_ =	shalt  }
0x60: {  	_ =	shalt  }
0x61: {  	_ =	shalt  }
0x62: {  	_ =	shalt  }
0x63: {  	_ =	shalt  }
0x64: {  	_ =	shalt  }
0x65: {  	_ =	shalt  }
0x66: {  	_ =	shalt  }
0x67: {  	_ =	shalt  }
0x68: {  	_ =	shalt  }
0x69: {  	_ =	shalt  }
0x6a: {  	_ =	shalt  }
0x6b: {  	_ =	shalt  }
0x6c: {  	_ =	shalt  }
0x6d: {  	_ =	shalt  }
0x6e: {  	_ =	shalt  }
0x6f: {  	_ =	shalt  }
0x70: {  	_ =	shalt  }
0x71: {  	_ =	shalt  }
0x72: {  	_ =	shalt  }
0x73: {  	_ =	shalt  }
0x74: {  	_ =	shalt  }
0x75: {  	_ =	shalt  }
0x76: {  	_ =	shalt  }
0x77: {  	_ =	shalt  }
0x78: {  	_ =	shalt  }
0x79: {  	_ =	shalt  }
0x7a: {  	_ =	shalt  }
0x7b: {  	_ =	shalt  }
0x7c: {  	_ =	shalt  }
0x7d: {  	_ =	shalt  }
0x7e: {  	_ =	shalt  }
0x7f: {  	_ =	shalt  }
0x80: {  	_ =	shalt  }
0x81: {  	_ =	shalt  }
0x82: {  	_ =	shalt  }
0x83: {  	_ =	shalt  }
0x84: {  	_ =	shalt  }
0x85: {  	_ =	shalt  }
0x86: {  	_ =	shalt  }
0x87: {  	_ =	shalt  }
.Lfunc_end0:
.L_simem_size_0:
called_computation.1_lowered:
.L_overlay_start_0:
0x88: {  	s2 =	sld [smem:$0x3FD9]  }
0x89: {  	s3 =	sld [smem:$0x3FFE];
	_ =	sdelay $0x1  }
0x8a: {  	s1 =	srdreg.scid  }
0x8b: {  	s0 =	sand.u32 $0x1, s1  }
0x8c: {  	s17 =	sshll.u32 s0, $0xA;
	s2 =	sadd.s32 s3, s2  }
0x8d: {  	s2 =	sadd.s32 s2, s17  }
0x8e: {  	[smem:$0x3FBB] =	sst s2  }
0x8f: {  	_ = 	snop  }
0x90: {  	(tm) =	ssettm $0x1  }
0x91: {  	s18 =	sld [smem:$0x3FFB];
	_ =	sdelay $0x3  }
0x92: {  	_ =	strace s18  }
0x93: {  	s2 =	sld [smem:$0x3FFC];
	_ =	sdelay $0x3  }
0x94: {  	_ =	strace s2  }
0x95: {  	s2 =	sld [smem:$0x3FFD];
	_ =	sdelay $0x3  }
0x96: {  	_ =	strace s2  }
0x97: {  	_ =	strace $0x8FFFFFFF  }
0x98: {  	s19 =	sld [smem:$0x3FDB];
	_ =	sdelay $0x1  }
0x99: {  	s20 =	simm.s32 $_scs_section_size  }
0x9a: {  	s4 =	simm.s32 $_size__tile_overlayer_lowered;
	s5 =	simm.s32 $_tile_overlayer_lowered  }
0x9b: {  	s6 =	simm.s32 $0x1BFF;
	s21 =	sshll.u32 s5, $0x1;
	s3 =	sadd.s32 s20, s19  }
0x9c: {  	s22 =	simm.s32 $0x0;
	s4 =	sshll.u32 s4, $0x1;
	s5 =	sadd.s32 s21, s3  }
0x9d: {  	[timem:s22], [sflag:s6] =	dma.local [hbm:s5], s4  }
0x9e: {  	_ =	swait.ge [sflag:s6], s4  }
0x9f: {  	s4 =	ssub.s32 $0x0, s4;
	[sflag:s6] =	ssyncset.done $0x0  }
0xa0: {  	[sflag:s6] =	ssyncadd.s32 s4;
	_ =	sdelay $0x1  }
0xa1: {  	s23 =	simm.s32 $0x1B8B  }
0xa2: {  	_ =	swait.ge [sflag:s23], $0x1  }
0xa3: {  	[sflag:s23] =	ssyncset.done $0x0  }
0xa4: {  	[sflag:s23] =	ssyncadd.s32 $0xFFFFFFFF  }
0xa5: {  	s4 =	sld [smem:$0x0]  }
0xa6: {  	s5 =	sand.u32 $0xFFFFFFFE, s1  }
0xa7: {  	p0 =	sne.s32 s1, s5  }
0xa8: {  	s5 =	sshll.u32 @p0 s5, $0xE  }
0xa9: {  	s5 =	sadd.s32 @p0 $0x11B8D, s5;
	s6 =	sshll.u32 @p0 s4, $0x11  }
0xaa: {  	s5 =	sor.u32 @p0 s6, s5  }
0xab: {  	[sflag:s5] =	ssyncadd.remote.s32 @p0 $0x1;
	_ =	sdelay $0x1  }
0xac: {  	s5 =	simm.s32 @p0 $0x1B8D  }
0xad: {  	_ =	swait.eq @p0 [sflag:s5], $0x1  }
0xae: {  	[sflag:s5] =	ssyncadd.s32 @p0 $0xFFFFFFFF  }
0xaf: {  	s6 =	sshll.u32 @!p0 s1, $0xE  }
0xb0: {  	s6 =	sor.u32 @!p0 $0x4000, s6;
	s5 =	simm.s32 @!p0 $0x1B8D  }
0xb1: {  	s4 =	sshll.u32 @!p0 s4, $0x11;
	s6 =	sadd.s32 @!p0 $0x11B8D, s6;
	_ =	swait.eq @!p0 [sflag:s5], $0x1  }
0xb2: {  	s4 =	sor.u32 @!p0 s4, s6;
	[sflag:s5] =	ssyncadd.s32 @!p0 $0xFFFFFFFF  }
0xb3: {  	s25 =	simm.s32 $0x1B8E;
	s24 =	sld [smem:$0x3FFE];
	[sflag:s4] =	ssyncadd.remote.s32 @!p0 $0x1  }
0xb4: {  	s26 =	simm.s32 $execute0_lowered;
	[smem:$0x3FD2] =	sst s25  }
0xb5: {  	s5 =	sshll.u32 s26, $0x1;
	_ =	strace $0x80000049;
	[dreg:$0x1] =	wrdreg $0xFFFFFFFF  }
0xb6: {  	s28 =	simm.s32 $_size_execute0_lowered;
	s3 =	sadd.s32 s3, s5;
	[dreg:$0x0] =	wrdreg $0x0  }
0xb7: {  	s5 =	sshll.u32 s28, $0x1;
	[dreg:$0x2] =	wrdreg s3  }
0xb8: {  	[dreg:$0x3] =	wrdreg s5  }
0xb9: {  	[dreg:$0x4] =	wrdreg $0xC0  }
0xba: {  	_ =	task [dreg:s22], $0x5FFFF  }
0xbb: {  	[dreg:$0x1] =	wrdreg $0xFFFFFFFF  }
0xbc: {  	[dreg:$0x0] =	wrdreg $0x60  }
0xbd: {  	[dreg:$0x2] =	wrdreg s24  }
0xbe: {  	[dreg:$0x3] =	wrdreg $0x38000  }
0xbf: {  	[dreg:$0x4] =	wrdreg $0xA  }
0xc0: {  	_ =	task.clear_ibuf [dreg:s22], $0x5FFFF;
	_ =	strace $0x90000049  }
0xc1: {  	s29 =	simm.s32 $0xA;
	_ =	strace $0x8000004B  }
0xc2: {  	_ =	swait.ge [sflag:s29], $0x1  }
0xc3: {  	[sflag:s29] =	ssyncadd.s32 $0xFFFFFFFF  }
0xc4: {  	_ =	strace $0x9000004B  }
0xc5: {  	_ =	sfence  }
0xc6: {  	s30 =	sld [smem:$0x0];
	_ =	sdelay $0x2  }
0xc7: {  	s31 =	sshll.u32 s1, $0xD;
	s1 =	sshrl.u32 s1, $0x2  }
0xc8: {  	s4 =	sand.u32 $0x4000, s31;
	s1 =	sadd.s32 s1, s30  }
0xc9: {  	s0 =	sor.u32 s4, s0;
	s1 =	sshll.u32 s1, $0x11  }
0xca: {  	s0 =	sor.u32 s1, s0  }
0xcb: {  	s0 =	sadd.s32 $0x8F2B, s0  }
0xcc: {  	[sflag:s0] =	ssyncadd.remote.s32 $0x1  }
0xcd: {  	_ =	sfence.sel $0xFFFF  }
0xce: {  	[dreg:$0x0] =	wrdreg $0xFFFFFFFF;
	(pc) =	sbr.abs _section_cstart, $3  }
0xcf: {  	[dreg:$0x1] =	wrdreg $0xFFFFFFFF  }
0xd0: {  	_ =	task.clear_ibuf [dreg:s22], $0x2FFFF;
	_ =	strace $0x9FFFFFFF  }
0xd1: {  	(tm) =	ssettm $0x7FFFFFFF  }
tec
execute0_lowered:
.L_overlay_start_1:
0x0: {  	(tag) =	ssettag $0x1  }
0x1: {  	s1 =	srdreg.scid;
	s5 =	rddreg [dreg:$0x0]  }
0x2: {  	s0 =	stileid.u32;
	s2 =	rddreg [dreg:$0x1]  }
0x3: {  	s3 =	simm.s32 $0x0;
	s19 =	simm.s32 $0x1;
	s7 =	smul.u32 $0x4E200, s0  }
0x4: {  	s20 =	simm.s32 $0x1000;
	s21 =	simm.s32 $0x50;
	s9 =	smul.u32 $0x14000, s0  }
0x5: {  	s22 =	simm.s32 $0x0;
	s6 =	sand.u32 $0x1, s1;
	s28 =	smul.u32 $0x50000, s0  }
0x6: {  	s23 =	sshll.u32 s0, $0x1;
	[smem:$0x7FF] =	sst s3;
	s8 =	smul.u32 $0x140000, s6  }
0x7: {  	s31 =	sshll.u32 s0, $0x6;
	s1 =	sor.u32 s6, s23;
	s14 =	smul.u32 $0x27100, s6  }
0x8: {  	s26 =	ssub.s32 $0x2, s6;
	s4 =	smul.u32 $0x5000, s1;
	s1 =	rddreg [dreg:$0x2]  }
0x9: {  	_ =	strace $0x8000004A;
	s11 =	sadd.s32 s7, s5;
	s29 =	sshrl.u32 s26, $0x1  }
0xa: {  	s30 =	sshrl.u32 s28, $0x2;
	s24 =	sadd.s32 s9, s8;
	s13 =	ssub.s32 s26, s29  }
0xb: {  	s18 =	sadd.s32 s30, s2;
	s17 =	sadd.s32 s14, s11;
	s4 =	sshrl.u32 s4, $0x3  }
0xc: {  	s25 =	sshrl.u32 s24, $0x3;
	s14 =	sadd.s32 $0x85100, s17;
	s15 =	sadd.s32 $0x8CE00, s17  }
0xd: {  	s16 =	sadd.s32 $0x94B00, s17;
	s18 =	sshrl.u32 s18, $0x3;
	s10 =	sadd.s32 s4, s5  }
0xe: {  	s4 =	sadd.s32 $0x55F400, s5;
	s12 =	sadd.s32 s25, s5;
	s5 =	sor.u32 $0x1C01, s31  }
0xf: {  	s6 =	sadd.s32 $0x2C00, s10;
	s7 =	sadd.s32 $0x2E00, s10;
	s8 =	sadd.s32 $0x3000, s10  }
0x10: {  	s9 =	sadd.s32 $0x3200, s10;
	s10 =	sadd.s32 $0x3400, s10;
	s11 =	sadd.s32 $0x561C00, s12  }
0x11: {  	s12 =	smax.u32 s13, $0x1;
	s13 =	sadd.s32 $0x7D400, s17;
	s17 =	sadd.s32 $0x9C800, s17  }
.LBB2_1:
0x12: {  	[spmem:s18], [sflag:s5] =	dma.local [hbm:s4], $0x2800  }
0x13: {  	_ =	swait.ge [sflag:s19], $0x2800  }
0x14: {  	[sflag:s19] =	ssyncset.done $0x0  }
0x15: {  	[sflag:s19] =	ssyncadd.s32 $0xFFFFD800  }
0x16: {  	[bflag:$0x0] =	sbarrier.arrive $0xFFFF  }
0x17: {  	[tilespmem:s3], [sflag:$0x1] =	stream.linear.gather [hbm4b:s6+s3], $0xC80, $0x38;
	[tilespmem:$0x6000] =	vst v63  }
0x18: {  	_ =	swait.ge [sflag:s19], $0xC80  }
0x19: {  	[sflag:s19] =	ssyncset.done $0x0  }
0x1a: {  	[sflag:s19] =	ssyncadd.s32 $0xFFFFF380  }
0x1b: {  	[tilespmem:s20], [sflag:$0x1] =	stream.linear.gather [hbm4b:s13+s3], $0x2800, $0x38;
	[tilespmem:$0x6000] =	vst v63  }
0x1c: {  	_ =	swait.ge [sflag:s19], $0x2800  }
0x1d: {  	[sflag:s19] =	ssyncset.done $0x0  }
0x1e: {  	s23 =	simm.s32 $0x0;
	[sflag:s19] =	ssyncadd.s32 $0xFFFFD800  }
0x1f: {  	[spmem:s2] =	stream.indirect.scatter.add.f32 [tilespmem:s20], [sflag:$0x1], $0x10, s23, s21, $0xb8;
	[tilespmem:$0x6000] =	vst v63  }
0x20: {  	_ =	swait.ge [sflag:s19], $0x500  }
0x21: {  	s24 =	smov.u32 s13;
	s23 =	simm.s32 $0x200;
	[sflag:s19] =	ssyncset.done $0x0  }
.LBB2_2:
0x22: {  	p0 =	sne.s32 s23, $0x3000;
	[sflag:s19] =	ssyncadd.s32 $0xFFFFFB00;
	s24 =	sadd.s32 $0x500, s24  }
0x23: {  	[tilespmem:s20], [sflag:$0x1] =	stream.linear.gather [hbm4b:s24+s3], $0x2800, $0x38;
	[tilespmem:$0x6000] =	vst v63  }
0x24: {  	s25 =	smov.u32 s23;
	s23 =	sadd.s32 $0x200, s23;
	_ =	swait.ge [sflag:s19], $0x2800  }
.Ltmp0:
0x25: {  	[sflag:s19] =	ssyncset.done $0x0;
	(pc) =	sbr.rel @p0 .LBB2_2-.Ltmp0, $4  }
0x26: {  	s25 =	sshra.s32 s25, $0x2;
	[sflag:s19] =	ssyncadd.s32 $0xFFFFD800  }
0x27: {  	[spmem:s2] =	stream.indirect.scatter.add.f32 [tilespmem:s20], [sflag:$0x1], $0x10, s25, s21, $0xb8;
	[tilespmem:$0x6000] =	vst v63  }
0x28: {  	_ =	swait.ge [sflag:s19], $0x500  }
0x29: {  	[sflag:s19] =	ssyncset.done $0x0  }
0x2a: {  	[sflag:s19] =	ssyncadd.s32 $0xFFFFFB00;
	s23 =	simm.s32 $0x0  }
0x2b: {  	[tilespmem:s23], [sflag:$0x1] =	stream.linear.gather [hbm4b:s7+s23], $0xC80, $0x38;
	[tilespmem:$0x6000] =	vst v63  }
0x2c: {  	_ =	swait.ge [sflag:s19], $0xC80  }
0x2d: {  	[sflag:s19] =	ssyncset.done $0x0  }
0x2e: {  	[sflag:s19] =	ssyncadd.s32 $0xFFFFF380  }
0x2f: {  	[tilespmem:s20], [sflag:$0x1] =	stream.linear.gather [hbm4b:s14+s3], $0x2800, $0x38;
	[tilespmem:$0x6000] =	vst v63  }
0x30: {  	_ =	swait.ge [sflag:s19], $0x2800  }
0x31: {  	[sflag:s19] =	ssyncset.done $0x0  }
0x32: {  	s31 =	simm.s32 $0x0;
	[sflag:s19] =	ssyncadd.s32 $0xFFFFD800  }
0x33: {  	[spmem:s2] =	stream.indirect.scatter.add.f32 [tilespmem:s20], [sflag:$0x1], $0x10, s31, s21, $0xb8;
	[tilespmem:$0x6000] =	vst v63  }
0x34: {  	_ =	swait.ge [sflag:s19], $0x500  }
0x35: {  	s24 =	smov.u32 s14;
	s23 =	simm.s32 $0x200;
	[sflag:s19] =	ssyncset.done $0x0  }
.LBB2_4:
0x36: {  	p0 =	sne.s32 s23, $0x3000;
	[sflag:s19] =	ssyncadd.s32 $0xFFFFFB00;
	s24 =	sadd.s32 $0x500, s24  }
0x37: {  	[tilespmem:s20], [sflag:$0x1] =	stream.linear.gather [hbm4b:s24+s3], $0x2800, $0x38;
	[tilespmem:$0x6000] =	vst v63  }
0x38: {  	s25 =	smov.u32 s23;
	s23 =	sadd.s32 $0x200, s23;
	_ =	swait.ge [sflag:s19], $0x2800  }
.Ltmp1:
0x39: {  	[sflag:s19] =	ssyncset.done $0x0;
	(pc) =	sbr.rel @p0 .LBB2_4-.Ltmp1, $4  }
0x3a: {  	s25 =	sshra.s32 s25, $0x2;
	[sflag:s19] =	ssyncadd.s32 $0xFFFFD800  }
0x3b: {  	[spmem:s2] =	stream.indirect.scatter.add.f32 [tilespmem:s20], [sflag:$0x1], $0x10, s25, s21, $0xb8;
	[tilespmem:$0x6000] =	vst v63  }
0x3c: {  	_ =	swait.ge [sflag:s19], $0x500  }
0x3d: {  	[sflag:s19] =	ssyncset.done $0x0  }
0x3e: {  	[sflag:s19] =	ssyncadd.s32 $0xFFFFFB00;
	s23 =	simm.s32 $0x0  }
0x3f: {  	[tilespmem:s23], [sflag:$0x1] =	stream.linear.gather [hbm4b:s8+s23], $0xC80, $0x38;
	[tilespmem:$0x6000] =	vst v63  }
0x40: {  	_ =	swait.ge [sflag:s19], $0xC80  }
0x41: {  	[sflag:s19] =	ssyncset.done $0x0  }
0x42: {  	[sflag:s19] =	ssyncadd.s32 $0xFFFFF380  }
0x43: {  	[tilespmem:s20], [sflag:$0x1] =	stream.linear.gather [hbm4b:s15+s3], $0x2800, $0x38;
	[tilespmem:$0x6000] =	vst v63  }
0x44: {  	_ =	swait.ge [sflag:s19], $0x2800  }
0x45: {  	[sflag:s19] =	ssyncset.done $0x0  }
0x46: {  	s31 =	simm.s32 $0x0;
	[sflag:s19] =	ssyncadd.s32 $0xFFFFD800  }
0x47: {  	[spmem:s2] =	stream.indirect.scatter.add.f32 [tilespmem:s20], [sflag:$0x1], $0x10, s31, s21, $0xb8;
	[tilespmem:$0x6000] =	vst v63  }
0x48: {  	_ =	swait.ge [sflag:s19], $0x500  }
0x49: {  	s24 =	smov.u32 s15;
	s23 =	simm.s32 $0x200;
	[sflag:s19] =	ssyncset.done $0x0  }
.LBB2_6:
0x4a: {  	p0 =	sne.s32 s23, $0x3000;
	[sflag:s19] =	ssyncadd.s32 $0xFFFFFB00;
	s24 =	sadd.s32 $0x500, s24  }
0x4b: {  	[tilespmem:s20], [sflag:$0x1] =	stream.linear.gather [hbm4b:s24+s3], $0x2800, $0x38;
	[tilespmem:$0x6000] =	vst v63  }
0x4c: {  	s25 =	smov.u32 s23;
	s23 =	sadd.s32 $0x200, s23;
	_ =	swait.ge [sflag:s19], $0x2800  }
.Ltmp2:
0x4d: {  	[sflag:s19] =	ssyncset.done $0x0;
	(pc) =	sbr.rel @p0 .LBB2_6-.Ltmp2, $4  }
0x4e: {  	s25 =	sshra.s32 s25, $0x2;
	[sflag:s19] =	ssyncadd.s32 $0xFFFFD800  }
0x4f: {  	[spmem:s2] =	stream.indirect.scatter.add.f32 [tilespmem:s20], [sflag:$0x1], $0x10, s25, s21, $0xb8;
	[tilespmem:$0x6000] =	vst v63  }
0x50: {  	_ =	swait.ge [sflag:s19], $0x500  }
0x51: {  	[sflag:s19] =	ssyncset.done $0x0  }
0x52: {  	[sflag:s19] =	ssyncadd.s32 $0xFFFFFB00;
	s23 =	simm.s32 $0x0  }
0x53: {  	[tilespmem:s23], [sflag:$0x1] =	stream.linear.gather [hbm4b:s9+s23], $0xC80, $0x38;
	[tilespmem:$0x6000] =	vst v63  }
0x54: {  	_ =	swait.ge [sflag:s19], $0xC80  }
0x55: {  	[sflag:s19] =	ssyncset.done $0x0  }
0x56: {  	[sflag:s19] =	ssyncadd.s32 $0xFFFFF380  }
0x57: {  	[tilespmem:s20], [sflag:$0x1] =	stream.linear.gather [hbm4b:s16+s3], $0x2800, $0x38;
	[tilespmem:$0x6000] =	vst v63  }
0x58: {  	_ =	swait.ge [sflag:s19], $0x2800  }
0x59: {  	[sflag:s19] =	ssyncset.done $0x0  }
0x5a: {  	s31 =	simm.s32 $0x0;
	[sflag:s19] =	ssyncadd.s32 $0xFFFFD800  }
0x5b: {  	[spmem:s2] =	stream.indirect.scatter.add.f32 [tilespmem:s20], [sflag:$0x1], $0x10, s31, s21, $0xb8;
	[tilespmem:$0x6000] =	vst v63  }
0x5c: {  	_ =	swait.ge [sflag:s19], $0x500  }
0x5d: {  	s24 =	smov.u32 s16;
	s23 =	simm.s32 $0x200;
	[sflag:s19] =	ssyncset.done $0x0  }
.LBB2_8:
0x5e: {  	p0 =	sne.s32 s23, $0x3000;
	[sflag:s19] =	ssyncadd.s32 $0xFFFFFB00;
	s24 =	sadd.s32 $0x500, s24  }
0x5f: {  	[tilespmem:s20], [sflag:$0x1] =	stream.linear.gather [hbm4b:s24+s3], $0x2800, $0x38;
	[tilespmem:$0x6000] =	vst v63  }
0x60: {  	s25 =	smov.u32 s23;
	s23 =	sadd.s32 $0x200, s23;
	_ =	swait.ge [sflag:s19], $0x2800  }
.Ltmp3:
0x61: {  	[sflag:s19] =	ssyncset.done $0x0;
	(pc) =	sbr.rel @p0 .LBB2_8-.Ltmp3, $4  }
0x62: {  	s25 =	sshra.s32 s25, $0x2;
	[sflag:s19] =	ssyncadd.s32 $0xFFFFD800  }
0x63: {  	[spmem:s2] =	stream.indirect.scatter.add.f32 [tilespmem:s20], [sflag:$0x1], $0x10, s25, s21, $0xb8;
	[tilespmem:$0x6000] =	vst v63  }
0x64: {  	_ =	swait.ge [sflag:s19], $0x500  }
0x65: {  	[sflag:s19] =	ssyncset.done $0x0  }
0x66: {  	[sflag:s19] =	ssyncadd.s32 $0xFFFFFB00;
	s23 =	simm.s32 $0x0  }
0x67: {  	[tilespmem:s23], [sflag:$0x1] =	stream.linear.gather [hbm4b:s10+s23], $0xC80, $0x38;
	[tilespmem:$0x6000] =	vst v63  }
0x68: {  	_ =	swait.ge [sflag:s19], $0xC80  }
0x69: {  	[sflag:s19] =	ssyncset.done $0x0  }
0x6a: {  	[sflag:s19] =	ssyncadd.s32 $0xFFFFF380  }
0x6b: {  	[tilespmem:s20], [sflag:$0x1] =	stream.linear.gather [hbm4b:s17+s3], $0x2800, $0x38;
	[tilespmem:$0x6000] =	vst v63  }
0x6c: {  	_ =	swait.ge [sflag:s19], $0x2800  }
0x6d: {  	[sflag:s19] =	ssyncset.done $0x0  }
0x6e: {  	s31 =	simm.s32 $0x0;
	[sflag:s19] =	ssyncadd.s32 $0xFFFFD800  }
0x6f: {  	[spmem:s2] =	stream.indirect.scatter.add.f32 [tilespmem:s20], [sflag:$0x1], $0x10, s31, s21, $0xb8;
	[tilespmem:$0x6000] =	vst v63  }
0x70: {  	_ =	swait.ge [sflag:s19], $0x500  }
0x71: {  	s24 =	smov.u32 s17;
	s23 =	simm.s32 $0x200;
	[sflag:s19] =	ssyncset.done $0x0  }
.LBB2_10:
0x72: {  	p0 =	sne.s32 s23, $0x3000;
	[sflag:s19] =	ssyncadd.s32 $0xFFFFFB00;
	s24 =	sadd.s32 $0x500, s24  }
0x73: {  	[tilespmem:s20], [sflag:$0x1] =	stream.linear.gather [hbm4b:s24+s3], $0x2800, $0x38;
	[tilespmem:$0x6000] =	vst v63  }
0x74: {  	s25 =	smov.u32 s23;
	s23 =	sadd.s32 $0x200, s23;
	_ =	swait.ge [sflag:s19], $0x2800  }
.Ltmp4:
0x75: {  	[sflag:s19] =	ssyncset.done $0x0;
	(pc) =	sbr.rel @p0 .LBB2_10-.Ltmp4, $4  }
0x76: {  	s25 =	sshra.s32 s25, $0x2;
	[sflag:s19] =	ssyncadd.s32 $0xFFFFD800  }
0x77: {  	[spmem:s2] =	stream.indirect.scatter.add.f32 [tilespmem:s20], [sflag:$0x1], $0x10, s25, s21, $0xb8;
	[tilespmem:$0x6000] =	vst v63  }
0x78: {  	_ =	swait.ge [sflag:s19], $0x500  }
0x79: {  	[sflag:s19] =	ssyncset.done $0x0  }
0x7a: {  	s22 =	sadd.s32 $0x1, s22  }
0x7b: {  	[sflag:s19] =	ssyncadd.s32 $0xFFFFFB00;
	p0 =	sne.s32 s22, s12  }
.Ltmp5:
0x7c: {  	[bflag:$0x0] =	sbarrier.arrive $0xFFFF;
	(pc) =	sbr.rel @p0 .LBB2_1-.Ltmp5, $4  }
0x7d: {  	[hbm:s11], [sflag:s5] =	dma.local [spmem:s18], $0x2800  }
0x7e: {  	_ =	swait.ge [sflag:s19], $0x2800  }
0x7f: {  	[sflag:s19] =	ssyncset.done $0x0  }
0x80: {  	[sflag:s19] =	ssyncadd.s32 $0xFFFFD800  }
0x81: {  	_ =	sfence.sel $0x180000  }
0x82: {  	[bflag:$0x0] =	sbarrier.arrive $0xFFFF  }
0x83: {  	p0 =	sne.s32 s0, $0x0;
	_ =	strace $0x9000004A  }
0x84: {  	s0 =	sadd.s32 @!p0 $0x100000, s1;
	[bflag:$0x2] =	sbarrier.arrive $0xFFFF  }
0x85: {  	[sflag:s0] =	ssyncadd.tile.s32 @!p0 $0x1;
	_ =	shalt  }
.Lfunc_end2:
_tile_overlayer_lowered:
.L_overlay_start_2:
0x86: {  	(tag) =	ssettag $0x2  }
0x87: {  	s0 =	rddreg [dreg:$0x0];
	s2 =	stileid.u32  }
0x88: {  	s1 =	rddreg [dreg:$0x1];
	p0 =	sne.s32 s2, $0x0  }
0x89: {  	s3 =	rddreg [dreg:$0x2];
	[bflag:$0x3] =	sbarrier.arrive $0xFFFF;
	s2 =	simm.s32 @!p0 $0x1C01  }
0x8a: {  	[timem:s3], [sflag:s2] =	dma.local @!p0 [hbm:s0], s1  }
0x8b: {  	s0 =	simm.s32 @!p0 $0x1  }
0x8c: {  	_ =	swait.ge @!p0 [sflag:s0], s1  }
0x8d: {  	s1 =	ssub.s32 @!p0 $0x0, s1;
	[sflag:s0] =	ssyncset.done @!p0 $0x0  }
0x8e: {  	[sflag:s0] =	ssyncadd.s32 @!p0 s1  }
0x8f: {  	[bflag:$0x3] =	sbarrier.arrive $0xFFFF  }
0x90: {  	_ =	shalt  }

</sc_bundles>
